<compile_context>
chip_gen: v7x
topology: tpu7x:2x2x1
jax: 0.10.2.dev20260603
libtpu: 0.0.44.dev20260713+nightly
codegen_flags: <defaults>
</compile_context>

<pallas_src>
import functools

import jax
import jax.numpy as jnp
from jax import lax
from jax.experimental import pallas as pl
from jax.experimental.pallas import tpu as pltpu
from jax.experimental.pallas import tpu_sc as plsc

_N = 10000
_E = 320000
_D = 128
_B = 64
_CH = 4
_CUTOFF = 10.0
_BLK = 400

_NC, _NS, _L = 2, 16, 16
_NW = _NC * _NS
_EPW = _E // _NW
_K = 64
_NCHUNK = 158
_EPW_P = _NCHUNK * _K


def _row_range(s):
    base = s * 624
    n16 = jnp.where(s == _NS - 1, 40, 39)
    return base, n16


def _sc_layer_kernel(h_hbm, src_hbm, dst_hbm, e0_hbm, e1_hbm, e2_hbm, e3_hbm,
                     out_hbm,
                     idx_a, idx_b, dst_a, dst_b, ev_a, ev_b, rows_a, rows_b,
                     zbuf,
                     sem_a0, sem_a1, sem_g0, sem_g1, sem_s0, sem_s1, acc_sh):
    core = lax.axis_index("c")
    sub = lax.axis_index("s")
    wid = sub * _NC + core
    ebase = wid * _EPW_P
    rowbase, n16 = _row_range(sub)

    idx = (idx_a, idx_b)
    dstv = (dst_a, dst_b)
    ev = (ev_a, ev_b)
    rows = (rows_a, rows_b)
    sem_as = (sem_a0, sem_a1)
    sem_gs = (sem_g0, sem_g1)
    sem_ss = (sem_s0, sem_s1)

    def scale_rows(rw, evv):
        def body(i, _):
            es = evv[i]
            for j in range(_D // _L):
                rw[i, pl.ds(j * _L, _L)] = rw[i, pl.ds(j * _L, _L)] * es
            return 0
        lax.fori_loop(0, _K, body, 0)

    for ch, e_hbm in enumerate((e0_hbm, e1_hbm, e2_hbm, e3_hbm)):
        def issue_small(c, b):
            cb = ebase + c * _K
            pltpu.async_copy(src_hbm.at[pl.ds(cb, _K)], idx[b], sem_as[b])
            pltpu.async_copy(dst_hbm.at[pl.ds(cb, _K)], dstv[b], sem_as[b])
            pltpu.async_copy(e_hbm.at[pl.ds(cb, _K)], ev[b], sem_as[b])

        def wait_small(b):
            pltpu.make_async_copy(src_hbm.at[pl.ds(0, _K)], idx[b],
                                  sem_as[b]).wait()
            pltpu.make_async_copy(dst_hbm.at[pl.ds(0, _K)], dstv[b],
                                  sem_as[b]).wait()
            pltpu.make_async_copy(e_hbm.at[pl.ds(0, _K)], ev[b],
                                  sem_as[b]).wait()

        def issue_gather(b):
            pltpu.async_copy(h_hbm.at[idx[b]], rows[b], sem_gs[b])

        def wait_gather(b):
            pltpu.make_async_copy(h_hbm.at[pl.ds(0, _K)], rows[b],
                                  sem_gs[b]).wait()

        def wait_scatter(b):
            pltpu.make_async_copy(h_hbm.at[pl.ds(0, _K)], rows[b],
                                  sem_ss[b]).wait()

        def finish(b):
            wait_gather(b)
            scale_rows(rows[b], ev[b])
            pltpu.async_copy(rows[b], acc_sh.at[dstv[b]], sem_ss[b],
                             add=True)

        zero16 = jnp.zeros((_L,), jnp.float32)
        for r in range(16):
            for j in range(_D // _L):
                zbuf[r, pl.ds(j * _L, _L)] = zero16

        def zbody(r, _):
            pltpu.sync_copy(zbuf, acc_sh.at[pl.ds(rowbase + r * 16, 16)])
            return 0
        lax.fori_loop(0, n16, zbody, 0)
        plsc.subcore_barrier()

        issue_small(0, 0)
        wait_small(0)
        issue_gather(0)
        issue_small(1, 1)

        def step(c, cur, oth, drain):
            wait_small(cur)
            if drain:
                wait_scatter(cur)
            issue_gather(cur)
            finish(oth)
            issue_small(jnp.minimum(c + 1, _NCHUNK - 1), oth)

        step(1, 1, 0, False)
        step(2, 0, 1, True)

        def pair(p, _):
            step(2 * p + 1, 1, 0, True)
            step(2 * p + 2, 0, 1, True)
            return 0
        lax.fori_loop(1, (_NCHUNK - 1) // 2, pair, 0)
        wait_small(1)
        finish(0)
        wait_scatter(0)
        wait_scatter(1)

        plsc.subcore_barrier()

        def rbody(r, _):
            pltpu.sync_copy(acc_sh.at[pl.ds(rowbase + r * 16, 16)], zbuf)
            pltpu.sync_copy(zbuf, out_hbm.at[core, ch,
                                            pl.ds(rowbase + r * 16, 16)])
            return 0
        lax.fori_loop(0, n16, rbody, 0)


@jax.jit
def _sc_layer(h, src, dst, e0, e1, e2, e3):
    mesh = plsc.VectorSubcoreMesh(core_axis_name="c", subcore_axis_name="s")
    f = functools.partial(
        pl.kernel,
        mesh=mesh,
        out_type=jax.ShapeDtypeStruct((_NC, _CH, _N, _D), jnp.float32),
        scratch_types=[
            pltpu.VMEM((_K,), jnp.int32),
            pltpu.VMEM((_K,), jnp.int32),
            pltpu.VMEM((_K,), jnp.int32),
            pltpu.VMEM((_K,), jnp.int32),
            pltpu.VMEM((_K, _L), jnp.float32),
            pltpu.VMEM((_K, _L), jnp.float32),
            pltpu.VMEM((_K, _D), jnp.float32),
            pltpu.VMEM((_K, _D), jnp.float32),
            pltpu.VMEM((16, _D), jnp.float32),
            pltpu.SemaphoreType.DMA,
            pltpu.SemaphoreType.DMA,
            pltpu.SemaphoreType.DMA,
            pltpu.SemaphoreType.DMA,
            pltpu.SemaphoreType.DMA,
            pltpu.SemaphoreType.DMA,
            pltpu.VMEM_SHARED((_N, _D), jnp.float32),
        ],
    )(_sc_layer_kernel)
    return f(h, src, dst, e0, e1, e2, e3)


_GK = 128
_GNCH = _EPW_P // _GK


def _sc_geom_kernel(pos_hbm, src_hbm, dst_hbm, out_hbm,
                    si_a, si_b, di_a, di_b, pa_a, pa_b, pb_a, pb_b,
                    ow_a, ow_b, sem_a0, sem_a1, sem_g0, sem_g1):
    core = lax.axis_index("c")
    sub = lax.axis_index("s")
    wid = sub * _NC + core
    ebase = wid * _EPW_P

    si = (si_a, si_b)
    di = (di_a, di_b)
    pa = (pa_a, pa_b)
    pb = (pb_a, pb_b)
    ow = (ow_a, ow_b)
    sem_as = (sem_a0, sem_a1)
    sem_gs = (sem_g0, sem_g1)

    def issue_small(c, b):
        cb = ebase + c * _GK
        pltpu.async_copy(src_hbm.at[pl.ds(cb, _GK)], si[b], sem_as[b])
        pltpu.async_copy(dst_hbm.at[pl.ds(cb, _GK)], di[b], sem_as[b])

    def wait_small(b):
        pltpu.make_async_copy(src_hbm.at[pl.ds(0, _GK)], si[b],
                              sem_as[b]).wait()
        pltpu.make_async_copy(src_hbm.at[pl.ds(0, _GK)], di[b],
                              sem_as[b]).wait()

    def issue_gather(b):
        pltpu.async_copy(pos_hbm.at[si[b]], pa[b], sem_gs[b])
        pltpu.async_copy(pos_hbm.at[di[b]], pb[b], sem_gs[b])

    def wait_gather(b):
        pltpu.make_async_copy(pos_hbm.at[pl.ds(0, _GK)], pa[b],
                              sem_gs[b]).wait()
        pltpu.make_async_copy(pos_hbm.at[pl.ds(0, _GK)], pb[b],
                              sem_gs[b]).wait()

    def finish(c, b):
        wait_gather(b)

        def body(i, _):
            d = pa[b][i, pl.ds(0, _L)] - pb[b][i, pl.ds(0, _L)]
            ow[b][i] = d * d
            return 0
        lax.fori_loop(0, _GK, body, 0)
        pltpu.sync_copy(ow[b], out_hbm.at[pl.ds(ebase + c * _GK, _GK)])

    issue_small(0, 0)
    wait_small(0)
    issue_gather(0)
    issue_small(1, 1)

    def step(c, cur, oth):
        wait_small(cur)
        issue_gather(cur)
        finish(c - 1, oth)
        issue_small(jnp.minimum(c + 1, _GNCH - 1), oth)

    def pair(p, _):
        step(2 * p + 1, 1, 0)
        step(2 * p + 2, 0, 1)
        return 0
    lax.fori_loop(0, (_GNCH - 1) // 2, pair, 0)
    wait_small(1)
    finish(_GNCH - 1, 0)


@jax.jit
def _sc_geom(pos16, src_p, dst_p):
    mesh = plsc.VectorSubcoreMesh(core_axis_name="c", subcore_axis_name="s")
    f = functools.partial(
        pl.kernel,
        mesh=mesh,
        out_type=jax.ShapeDtypeStruct((_NW * _EPW_P, _L), jnp.float32),
        scratch_types=[
            pltpu.VMEM((_GK,), jnp.int32),
            pltpu.VMEM((_GK,), jnp.int32),
            pltpu.VMEM((_GK,), jnp.int32),
            pltpu.VMEM((_GK,), jnp.int32),
            pltpu.VMEM((_GK, _D), jnp.float32),
            pltpu.VMEM((_GK, _D), jnp.float32),
            pltpu.VMEM((_GK, _D), jnp.float32),
            pltpu.VMEM((_GK, _D), jnp.float32),
            pltpu.VMEM((_GK, _L), jnp.float32),
            pltpu.VMEM((_GK, _L), jnp.float32),
            pltpu.SemaphoreType.DMA,
            pltpu.SemaphoreType.DMA,
            pltpu.SemaphoreType.DMA,
            pltpu.SemaphoreType.DMA,
        ],
    )(_sc_geom_kernel)
    return f(pos16, src_p, dst_p)


_NPW = 320
_EK = 80


def _sc_emb_kernel(emb_hbm, at_hbm, out_hbm, idxv, rowsv, sem):
    core = lax.axis_index("c")
    sub = lax.axis_index("s")
    wid = sub * _NC + core
    base = wid * _NPW
    for c in range(_NPW // _EK):
        pltpu.sync_copy(at_hbm.at[pl.ds(base + c * _EK, _EK)], idxv)
        pltpu.async_copy(emb_hbm.at[idxv], rowsv, sem).wait()
        pltpu.sync_copy(rowsv, out_hbm.at[pl.ds(base + c * _EK, _EK)])


@jax.jit
def _sc_emb(emb, at_p):
    mesh = plsc.VectorSubcoreMesh(core_axis_name="c", subcore_axis_name="s")
    f = functools.partial(
        pl.kernel,
        mesh=mesh,
        out_type=jax.ShapeDtypeStruct((_NW * _NPW, _D), jnp.float32),
        scratch_types=[
            pltpu.VMEM((_EK,), jnp.int32),
            pltpu.VMEM((_EK, _D), jnp.float32),
            pltpu.SemaphoreType.DMA,
        ],
    )(_sc_emb_kernel)
    return f(emb, at_p)


def _node_mlp_body(agg_ref, w1_ref, b1_ref, w2_ref, b2_ref, out_ref):
    acc = None
    for c in range(_CH):
        x = agg_ref[0, c] + agg_ref[1, c]
        h1 = jnp.maximum(
            jnp.dot(x, w1_ref[c], preferred_element_type=jnp.float32) + b1_ref[c],
            0.0,
        )
        y = jnp.dot(h1, w2_ref[c], preferred_element_type=jnp.float32) + b2_ref[c]
        acc = y if acc is None else acc + y
    out_ref[...] = acc


@jax.jit
def _node_mlp(agg, w1, b1, w2, b2):
    return pl.pallas_call(
        _node_mlp_body,
        grid=(_N // _BLK,),
        in_specs=[
            pl.BlockSpec((_NC, _CH, _BLK, _D), lambda i: (0, 0, i, 0)),
            pl.BlockSpec((_CH, _D, _D), lambda i: (0, 0, 0)),
            pl.BlockSpec((_CH, 1, _D), lambda i: (0, 0, 0)),
            pl.BlockSpec((_CH, _D, _D), lambda i: (0, 0, 0)),
            pl.BlockSpec((_CH, 1, _D), lambda i: (0, 0, 0)),
        ],
        out_specs=pl.BlockSpec((_BLK, _D), lambda i: (i, 0)),
        out_shape=jax.ShapeDtypeStruct((_N, _D), jnp.float32),
    )(agg, w1, b1, w2, b2)


_EBLK = 1264
_EP = _NW * _EPW_P


def _edge_body(d2_ref, p_ref, p2_ref, o0_ref, o1_ref, o2_ref, o3_ref):
    i = pl.program_id(0)
    x = d2_ref[...]
    dist = jnp.sqrt(x[:, 0] + x[:, 1] + x[:, 2] + 1e-12)
    mu = p_ref[0, 0]
    rsig = p_ref[0, 1]
    bb = p_ref[0, 2]
    ea = (dist - mu) * rsig + bb
    w1 = p2_ref[0, :16]
    b1 = p2_ref[1, :16]
    b2 = p2_ref[2, :4]
    w2 = p2_ref[8:24, :4]
    h1 = jnp.maximum(ea[:, None] * w1[None, :] + b1[None, :], 0.0)
    lg = jnp.dot(h1, w2, preferred_element_type=jnp.float32) + b2[None, :]
    m = jnp.max(lg, axis=1, keepdims=True)
    ex = jnp.exp(lg - m)
    sm = ex / jnp.sum(ex, axis=1, keepdims=True)
    ew = (_CUTOFF - dist) * (1.0 / _CUTOFF)
    row = i * _EBLK + lax.broadcasted_iota(jnp.int32, (_EBLK,), 0)
    mask = ((row % _EPW_P) < _EPW).astype(jnp.float32)
    e4 = sm * (ew * mask)[:, None]
    for c, o_ref in enumerate((o0_ref, o1_ref, o2_ref, o3_ref)):
        o_ref[...] = jnp.broadcast_to(e4[:, c:c + 1], (_EBLK, _L))


@jax.jit
def _edge_stage(d2w_p, p, p2):
    espec = pl.BlockSpec((_EBLK, _L), lambda i: (i, 0))
    return pl.pallas_call(
        _edge_body,
        grid=(_EP // _EBLK,),
        in_specs=[espec,
                  pl.BlockSpec((1, _D), lambda i: (0, 0)),
                  pl.BlockSpec((24, _D), lambda i: (0, 0))],
        out_specs=[espec] * 4,
        out_shape=[jax.ShapeDtypeStruct((_EP, _L), jnp.float32)] * 4,
    )(d2w_p, p, p2)


def _gn_stats_body(h_ref, bat_ref, s0_ref, s1_ref, c_ref):
    i = pl.program_id(0)
    oh = (bat_ref[...] == lax.broadcasted_iota(jnp.int32, (_BLK, _B), 1)
          ).astype(jnp.float32)
    dn = (((0,), (0,)), ((), ()))
    x = h_ref[...]
    s0 = lax.dot_general(oh, x, dn, preferred_element_type=jnp.float32)
    s1 = lax.dot_general(oh, x * x, dn, preferred_element_type=jnp.float32)
    c = lax.dot_general(oh, jnp.ones((_BLK, _D), jnp.float32), dn,
                        preferred_element_type=jnp.float32)

    @pl.when(i == 0)
    def _():
        s0_ref[...] = jnp.zeros_like(s0_ref)
        s1_ref[...] = jnp.zeros_like(s1_ref)
        c_ref[...] = jnp.zeros_like(c_ref)

    s0_ref[...] += s0
    s1_ref[...] += s1
    c_ref[...] += c


def _gn_apply_body(h_ref, bat_ref, s0_ref, s1_ref, c_ref,
                   w_ref, b_ref, ms_ref, out_ref):
    oh = (bat_ref[...] == lax.broadcasted_iota(jnp.int32, (_BLK, _B), 1)
          ).astype(jnp.float32)
    c = jnp.maximum(c_ref[...], 1.0)
    m = s0_ref[...] / c
    mm = m * ms_ref[...]
    v = s1_ref[...] / c - 2.0 * mm * m + mm * mm
    dn = (((1,), (0,)), ((), ()))
    mrow = lax.dot_general(oh, mm, dn, preferred_element_type=jnp.float32)
    vrow = lax.dot_general(oh, v, dn, preferred_element_type=jnp.float32)
    hc = h_ref[...] - mrow
    out_ref[...] = jnp.tanh(hc / jnp.sqrt(vrow + 1e-5) * w_ref[...]
                            + b_ref[...])


@jax.jit
def _graph_norm(h, bat2d, w, b, ms):
    bspec = pl.BlockSpec((_BLK, 1), lambda i: (i, 0))
    full = pl.BlockSpec((_B, _D), lambda i: (0, 0))
    s0, s1, c = pl.pallas_call(
        _gn_stats_body,
        grid=(_N // _BLK,),
        in_specs=[pl.BlockSpec((_BLK, _D), lambda i: (i, 0)), bspec],
        out_specs=[full, full, full],
        out_shape=[jax.ShapeDtypeStruct((_B, _D), jnp.float32)] * 3,
    )(h, bat2d)
    return pl.pallas_call(
        _gn_apply_body,
        grid=(_N // _BLK,),
        in_specs=[pl.BlockSpec((_BLK, _D), lambda i: (i, 0)), bspec,
                  full, full, full,
                  pl.BlockSpec((1, _D), lambda i: (0, 0)),
                  pl.BlockSpec((1, _D), lambda i: (0, 0)),
                  pl.BlockSpec((1, _D), lambda i: (0, 0))],
        out_specs=pl.BlockSpec((_BLK, _D), lambda i: (i, 0)),
        out_shape=jax.ShapeDtypeStruct((_N, _D), jnp.float32),
    )(h, bat2d, s0, s1, c, w[None, :], b[None, :], ms[None, :])


def _readout_body(h_ref, bat_ref, g_ref, c_ref, out_ref):
    i = pl.program_id(0)
    oh = (bat_ref[...] == lax.broadcasted_iota(jnp.int32, (_BLK, _B), 1)
          ).astype(jnp.float32)
    dn = (((0,), (0,)), ((), ()))
    g = lax.dot_general(oh, h_ref[...], dn, preferred_element_type=jnp.float32)
    c = lax.dot_general(oh, jnp.ones((_BLK, _D), jnp.float32), dn,
                        preferred_element_type=jnp.float32)

    @pl.when(i == 0)
    def _():
        g_ref[...] = jnp.zeros_like(g_ref)
        c_ref[...] = jnp.zeros_like(c_ref)

    g_ref[...] += g
    c_ref[...] += c

    @pl.when(i == _N // _BLK - 1)
    def _():
        gg = g_ref[...] / jnp.maximum(c_ref[...], 1.0)
        out_ref[...] = jnp.mean(gg, axis=1, keepdims=True)


@jax.jit
def _readout(h, bat2d):
    full = pl.BlockSpec((_B, _D), lambda i: (0, 0))
    _, _, out = pl.pallas_call(
        _readout_body,
        grid=(_N // _BLK,),
        in_specs=[pl.BlockSpec((_BLK, _D), lambda i: (i, 0)),
                  pl.BlockSpec((_BLK, 1), lambda i: (i, 0))],
        out_specs=[full, full, pl.BlockSpec((_B, 1), lambda i: (0, 0))],
        out_shape=[jax.ShapeDtypeStruct((_B, _D), jnp.float32),
                   jax.ShapeDtypeStruct((_B, _D), jnp.float32),
                   jax.ShapeDtypeStruct((_B, 1), jnp.float32)],
    )(h, bat2d)
    return out[:, 0]


def _mlp(params, x):
    n = len(params)
    for i, (w, b) in enumerate(params):
        x = x @ w + b
        if i < n - 1:
            x = jax.nn.relu(x)
    return x


def kernel(pos, batch, atom_type, edge_index, params):
    src = edge_index[0]
    dst = edge_index[1]
    pad = _EPW_P - _EPW
    src_p = jnp.pad(src.reshape(_NW, _EPW), ((0, 0), (0, pad))).reshape(-1)
    dst_p = jnp.pad(dst.reshape(_NW, _EPW), ((0, 0), (0, pad))).reshape(-1)
    pos16 = jnp.pad(pos, ((0, 0), (0, _D - 3)))
    d2w_p = _sc_geom(pos16, src_p, dst_p)
    dist_p = jnp.sqrt(d2w_p[:, 0] + d2w_p[:, 1] + d2w_p[:, 2] + 1e-12)
    emask = (jnp.arange(_EP) % _EPW_P) < _EPW
    dm = jnp.where(emask, dist_p, 0.0)
    mu = jnp.sum(dm) / _E
    dc = jnp.where(emask, dist_p - mu, 0.0)
    var = jnp.sum(dc * dc) / _E
    rsig = params['bn_g'][0] / jnp.sqrt(var + 1e-5)
    pvec = (jnp.zeros((1, _D), jnp.float32)
            .at[0, 0].set(mu).at[0, 1].set(rsig)
            .at[0, 2].set(params['bn_b'][0]))
    at_p = jnp.pad(atom_type, (0, _NW * _NPW - _N))
    h = _sc_emb(params['emb'], at_p)[:_N]
    bat2d = batch[:, None].astype(jnp.int32)
    n_layers = len(params['layers'])
    for li in range(n_layers):
        lp = params['layers'][li]
        (w1e, b1e), (w2e, b2e) = lp['edge_mlp']
        p2 = (jnp.zeros((24, _D), jnp.float32)
              .at[0, :16].set(w1e[0]).at[1, :16].set(b1e)
              .at[2, :4].set(b2e).at[8:24, :4].set(w2e))
        ee = _edge_stage(d2w_p, pvec, p2)
        agg = _sc_layer(h, src_p, dst_p, ee[0], ee[1], ee[2], ee[3])
        w1 = jnp.stack([lp['node_mlp'][c][0][0] for c in range(_CH)])
        b1 = jnp.stack([lp['node_mlp'][c][0][1] for c in range(_CH)])[:, None, :]
        w2 = jnp.stack([lp['node_mlp'][c][1][0] for c in range(_CH)])
        b2 = jnp.stack([lp['node_mlp'][c][1][1] for c in range(_CH)])[:, None, :]
        h = _node_mlp(agg, w1, b1, w2, b2)
        if li + 1 < n_layers:
            gn = params['norms'][li]
            h = _graph_norm(h, bat2d, gn['weight'], gn['bias'],
                            gn['mean_scale'])
    return _readout(h, bat2d)

# --- scband reference (transcript-rebuilt; emitter-appended) ---
"""Pipeline reference for scband-drgin2-75316546502807 (READ-ONLY COPY).

The authoritative reference and input builder live on the scoring server;
editing this copy changes nothing except your own understanding.
"""

import jax, jax.numpy as jnp
import numpy as np

N = 10000
E = 320000
D = 128
B = 64
NUM_TYPES = 200
EDGE_CH = 4
CUTOFF = 10.0
NODE_DIMS = [128, 128, 128]
EDGE_DIMS = [1, 16, 4]
N_LAYERS = 2


def _mlp_init(key, dims):
    params = []
    for i in range(len(dims) - 1):
        key, kw = jax.random.split(key)
        w = jax.random.normal(kw, (dims[i], dims[i + 1]), jnp.float32) * (1.0 / np.sqrt(dims[i]))
        b = jnp.zeros((dims[i + 1],), jnp.float32)
        params.append((w, b))
    return params


def _mlp_apply(params, x):
    n = len(params)
    for i, (w, b) in enumerate(params):
        x = x @ w + b
        if i < n - 1:
            x = jax.nn.relu(x)
    return x


def setup_inputs(seed: int = 0):
    key = jax.random.key(seed)
    k_pos, k_batch, k_atom, k_edge, k_par = jax.random.split(key, 5)
    pos = jax.random.normal(k_pos, (N, 3), jnp.float32) * 5.0
    batch = jnp.sort(jax.random.randint(k_batch, (N,), 0, B))
    atom_type = jax.random.randint(k_atom, (N,), 0, NUM_TYPES)
    edge_index = jax.random.randint(k_edge, (2, E), 0, N)
    keys = jax.random.split(k_par, 1 + N_LAYERS * (EDGE_CH + 1))
    emb = jax.random.normal(keys[0], (NUM_TYPES, D), jnp.float32)
    params = {'emb': emb,
              'bn_g': jnp.ones((1,), jnp.float32),
              'bn_b': jnp.zeros((1,), jnp.float32),
              'layers': [],
              'norms': []}
    ki = 1
    for li in range(N_LAYERS):
        edge_mlp = _mlp_init(keys[ki], EDGE_DIMS); ki += 1
        node_mlps = []
        for c in range(EDGE_CH):
            node_mlps.append(_mlp_init(keys[ki], NODE_DIMS)); ki += 1
        params['layers'].append({'edge_mlp': edge_mlp, 'node_mlp': node_mlps})
        params['norms'].append({'weight': jnp.ones((D,), jnp.float32),
                                'bias': jnp.zeros((D,), jnp.float32),
                                'mean_scale': jnp.ones((D,), jnp.float32)})
    return {'pos': pos, 'batch': batch, 'atom_type': atom_type,
            'edge_index': edge_index, 'params': params}


def _forward(pos, params, batch, atom_type, edge_index):
    src = edge_index[0]
    dst = edge_index[1]
    diff = pos[src] - pos[dst]
    dist = jnp.sqrt(jnp.sum(diff * diff, axis=-1) + 1e-12)
    ea = dist[:, None]
    mu = jnp.mean(ea, axis=0)
    var = jnp.var(ea, axis=0)
    edge_attr = (ea - mu) / jnp.sqrt(var + 1e-5) * params['bn_g'] + params['bn_b']
    edge_weight = (CUTOFF - ea) / CUTOFF
    h = params['emb'][atom_type]
    ones = jnp.ones((N, 1), jnp.float32)
    cnt = jax.ops.segment_sum(ones, batch, num_segments=B)
    cnt = jnp.maximum(cnt, 1.0)
    for li in range(N_LAYERS):
        lp = params['layers'][li]
        e = jax.nn.softmax(_mlp_apply(lp['edge_mlp'], edge_attr), axis=-1)
        e = e * edge_weight
        out = jnp.zeros((N, NODE_DIMS[-1]), jnp.float32)
        for c in range(EDGE_CH):
            msg = h[src] * e[:, c][:, None]
            agg = jax.ops.segment_sum(msg, dst, num_segments=N)
            out = out + _mlp_apply(lp['node_mlp'][c], agg)
        h = out
        if li + 1 < N_LAYERS:
            gn = params['norms'][li]
            mean = jax.ops.segment_sum(h, batch, num_segments=B) / cnt
            hc = h - mean[batch] * gn['mean_scale']
            v = jax.ops.segment_sum(hc * hc, batch, num_segments=B) / cnt
            h = hc / jnp.sqrt(v[batch] + 1e-5) * gn['weight'] + gn['bias']
            h = jnp.tanh(h)
    g = jax.ops.segment_sum(h, batch, num_segments=B) / cnt
    return g.mean(-1)


def reference(pos, batch, atom_type, edge_index, params):
    return _forward(pos, params, batch, atom_type, edge_index)

if __name__ == "__main__":
    import jax
    _d = setup_inputs()
    print(jax.jit(kernel)(*tuple(_d.values())))

</pallas_src>

<mosaic_0001>
#map = affine_map<(d0, d1) -> (0, 0)>
#map1 = affine_map<(d0, d1) -> (0)>
module attributes {stable_mosaic.version = 14 : i64} {
  func.func @_sc_geom_kernel(%arg0: i32, %arg1: i32, %arg2: memref<10000x128xf32, #tpu.memory_space<hbm>>, %arg3: memref<323584xi32, #tpu.memory_space<hbm>>, %arg4: memref<323584xi32, #tpu.memory_space<hbm>>, %arg5: memref<323584x16xf32, #tpu.memory_space<hbm>>, %arg6: memref<128xi32, #tpu.memory_space<vmem>>, %arg7: memref<128xi32, #tpu.memory_space<vmem>>, %arg8: memref<128xi32, #tpu.memory_space<vmem>>, %arg9: memref<128xi32, #tpu.memory_space<vmem>>, %arg10: memref<128x128xf32, #tpu.memory_space<vmem>>, %arg11: memref<128x128xf32, #tpu.memory_space<vmem>>, %arg12: memref<128x128xf32, #tpu.memory_space<vmem>>, %arg13: memref<128x128xf32, #tpu.memory_space<vmem>>, %arg14: memref<128x16xf32, #tpu.memory_space<vmem>>, %arg15: memref<128x16xf32, #tpu.memory_space<vmem>>, %arg16: memref<!tpu.dma_semaphore, #tpu.memory_space<semaphore_mem>>, %arg17: memref<!tpu.dma_semaphore, #tpu.memory_space<semaphore_mem>>, %arg18: memref<!tpu.dma_semaphore, #tpu.memory_space<semaphore_mem>>, %arg19: memref<!tpu.dma_semaphore, #tpu.memory_space<semaphore_mem>>) attributes {dimension_semantics = [#tpu.dimension_semantics<core_parallel>, #tpu.dimension_semantics<subcore_parallel>], iteration_bounds = array<i64: 2, 16>, scalar_prefetch = 0 : i64, scratch_operands = 14 : i64, tpu.core_type = #tpu.core_type<sc_vector_subcore>, window_params = [{transform_indices = #map}, {transform_indices = #map1}, {transform_indices = #map1}, {transform_indices = #map}]} {
    %mul3A = arith.constant 2 : i32
    %mul3A_0 = arith.muli %arg1, %mul3A : i32
    %add3A = arith.addi %mul3A_0, %arg0 : i32
    %mul3A_1 = arith.constant 10112 : i32
    %mul3A_2 = arith.muli %add3A, %mul3A_1 : i32
    %add3A_3 = arith.constant 0 : i32
    %add3A_4 = arith.addi %mul3A_2, %add3A_3 : i32
    %dma_start3A = tpu.memref_slice %arg3[%add3A_4] : memref<323584xi32, #tpu.memory_space<hbm>> -> memref<128xi32, #tpu.memory_space<hbm>>
    %dma_start3A_5 = tpu.memref_slice %arg3[%add3A_4] : memref<323584xi32, #tpu.memory_space<hbm>> -> memref<128xi32, #tpu.memory_space<hbm>>
    tpu.enqueue_dma source(%dma_start3A_5 : memref<128xi32, #tpu.memory_space<hbm>>) target(%arg6 : memref<128xi32, #tpu.memory_space<vmem>>) target_semaphore(%arg16 : memref<!tpu.dma_semaphore, #tpu.memory_space<semaphore_mem>>)
    %dma_start3A_6 = tpu.memref_slice %arg4[%add3A_4] : memref<323584xi32, #tpu.memory_space<hbm>> -> memref<128xi32, #tpu.memory_space<hbm>>
    %dma_start3A_7 = tpu.memref_slice %arg4[%add3A_4] : memref<323584xi32, #tpu.memory_space<hbm>> -> memref<128xi32, #tpu.memory_space<hbm>>
    tpu.enqueue_dma source(%dma_start3A_7 : memref<128xi32, #tpu.memory_space<hbm>>) target(%arg8 : memref<128xi32, #tpu.memory_space<vmem>>) target_semaphore(%arg16 : memref<!tpu.dma_semaphore, #tpu.memory_space<semaphore_mem>>)
    %dma_wait3A = arith.constant 0 : i32
    %dma_wait3A_8 = tpu.memref_slice %arg3[%dma_wait3A] : memref<323584xi32, #tpu.memory_space<hbm>> -> memref<128xi32, #tpu.memory_space<hbm>>
    %dma_wait3A_9 = arith.constant 0 : i32
    %dma_wait3A_10 = tpu.memref_slice %arg3[%dma_wait3A_9] : memref<323584xi32, #tpu.memory_space<hbm>> -> memref<128xi32, #tpu.memory_space<hbm>>
    tpu.wait_dma2 semaphore(%arg16 : memref<!tpu.dma_semaphore, #tpu.memory_space<semaphore_mem>>) src(%dma_wait3A_10 : memref<128xi32, #tpu.memory_space<hbm>>) dst(%arg6 : memref<128xi32, #tpu.memory_space<vmem>>)
    %dma_wait3A_11 = arith.constant 0 : i32
    %dma_wait3A_12 = tpu.memref_slice %arg3[%dma_wait3A_11] : memref<323584xi32, #tpu.memory_space<hbm>> -> memref<128xi32, #tpu.memory_space<hbm>>
    %dma_wait3A_13 = arith.constant 0 : i32
    %dma_wait3A_14 = tpu.memref_slice %arg3[%dma_wait3A_13] : memref<323584xi32, #tpu.memory_space<hbm>> -> memref<128xi32, #tpu.memory_space<hbm>>
    tpu.wait_dma2 semaphore(%arg16 : memref<!tpu.dma_semaphore, #tpu.memory_space<semaphore_mem>>) src(%dma_wait3A_14 : memref<128xi32, #tpu.memory_space<hbm>>) dst(%arg8 : memref<128xi32, #tpu.memory_space<vmem>>)
    %dma_start3A_15 = arith.constant 0 : i32
    %dma_start3A_16 = arith.constant 0 : i32
    %dma_start3A_17 = tpu.memref_slice %arg2[%dma_start3A_15, %dma_start3A_16] : memref<10000x128xf32, #tpu.memory_space<hbm>> -> memref<10000x128xf32, #tpu.memory_space<hbm>>
    tpu.enqueue_indirect_dma source(%dma_start3A_17 : memref<10000x128xf32, #tpu.memory_space<hbm>>) target(%arg10 : memref<128x128xf32, #tpu.memory_space<vmem>>) offsets(%arg6 : memref<128xi32, #tpu.memory_space<vmem>>) semaphore(%arg18 : memref<!tpu.dma_semaphore, #tpu.memory_space<semaphore_mem>>)
    %dma_start3A_18 = arith.constant 0 : i32
    %dma_start3A_19 = arith.constant 0 : i32
    %dma_start3A_20 = tpu.memref_slice %arg2[%dma_start3A_18, %dma_start3A_19] : memref<10000x128xf32, #tpu.memory_space<hbm>> -> memref<10000x128xf32, #tpu.memory_space<hbm>>
    tpu.enqueue_indirect_dma source(%dma_start3A_20 : memref<10000x128xf32, #tpu.memory_space<hbm>>) target(%arg12 : memref<128x128xf32, #tpu.memory_space<vmem>>) offsets(%arg8 : memref<128xi32, #tpu.memory_space<vmem>>) semaphore(%arg18 : memref<!tpu.dma_semaphore, #tpu.memory_space<semaphore_mem>>)
    %add3A_21 = arith.constant 128 : i32
    %add3A_22 = arith.addi %mul3A_2, %add3A_21 : i32
    %dma_start3A_23 = tpu.memref_slice %arg3[%add3A_22] : memref<323584xi32, #tpu.memory_space<hbm>> -> memref<128xi32, #tpu.memory_space<hbm>>
    %dma_start3A_24 = tpu.memref_slice %arg3[%add3A_22] : memref<323584xi32, #tpu.memory_space<hbm>> -> memref<128xi32, #tpu.memory_space<hbm>>
    tpu.enqueue_dma source(%dma_start3A_24 : memref<128xi32, #tpu.memory_space<hbm>>) target(%arg7 : memref<128xi32, #tpu.memory_space<vmem>>) target_semaphore(%arg17 : memref<!tpu.dma_semaphore, #tpu.memory_space<semaphore_mem>>)
    %dma_start3A_25 = tpu.memref_slice %arg4[%add3A_22] : memref<323584xi32, #tpu.memory_space<hbm>> -> memref<128xi32, #tpu.memory_space<hbm>>
    %dma_start3A_26 = tpu.memref_slice %arg4[%add3A_22] : memref<323584xi32, #tpu.memory_space<hbm>> -> memref<128xi32, #tpu.memory_space<hbm>>
    tpu.enqueue_dma source(%dma_start3A_26 : memref<128xi32, #tpu.memory_space<hbm>>) target(%arg9 : memref<128xi32, #tpu.memory_space<vmem>>) target_semaphore(%arg17 : memref<!tpu.dma_semaphore, #tpu.memory_space<semaphore_mem>>)
    %scan3A = arith.constant 0 : i32
    %scan3A_27 = arith.constant 0 : i32
    %scan3A_28 = arith.constant 39 : i32
    %scan3A_29 = arith.addi %scan3A_27, %scan3A_28 : i32
    %scan3A_30 = arith.constant 1 : i32
    %scan3A_31 = scf.for %scan3A_62 = %scan3A_27 to %scan3A_29 step %scan3A_30 iter_args(%scan3A_63 = %scan3A) -> (i32)  : i32 {
      %mul3A_64 = arith.constant 2 : i32
      %mul3A_65 = arith.muli %mul3A_64, %scan3A_62 : i32
      %add3A_66 = arith.constant 1 : i32
      %add3A_67 = arith.addi %mul3A_65, %add3A_66 : i32
      %dma_wait3A_68 = arith.constant 0 : i32
      %dma_wait3A_69 = tpu.memref_slice %arg3[%dma_wait3A_68] : memref<323584xi32, #tpu.memory_space<hbm>> -> memref<128xi32, #tpu.memory_space<hbm>>
      %dma_wait3A_70 = arith.constant 0 : i32
      %dma_wait3A_71 = tpu.memref_slice %arg3[%dma_wait3A_70] : memref<323584xi32, #tpu.memory_space<hbm>> -> memref<128xi32, #tpu.memory_space<hbm>>
      tpu.wait_dma2 semaphore(%arg17 : memref<!tpu.dma_semaphore, #tpu.memory_space<semaphore_mem>>) src(%dma_wait3A_71 : memref<128xi32, #tpu.memory_space<hbm>>) dst(%arg7 : memref<128xi32, #tpu.memory_space<vmem>>)
      %dma_wait3A_72 = arith.constant 0 : i32
      %dma_wait3A_73 = tpu.memref_slice %arg3[%dma_wait3A_72] : memref<323584xi32, #tpu.memory_space<hbm>> -> memref<128xi32, #tpu.memory_space<hbm>>
      %dma_wait3A_74 = arith.constant 0 : i32
      %dma_wait3A_75 = tpu.memref_slice %arg3[%dma_wait3A_74] : memref<323584xi32, #tpu.memory_space<hbm>> -> memref<128xi32, #tpu.memory_space<hbm>>
      tpu.wait_dma2 semaphore(%arg17 : memref<!tpu.dma_semaphore, #tpu.memory_space<semaphore_mem>>) src(%dma_wait3A_75 : memref<128xi32, #tpu.memory_space<hbm>>) dst(%arg9 : memref<128xi32, #tpu.memory_space<vmem>>)
      %dma_start3A_76 = arith.constant 0 : i32
      %dma_start3A_77 = arith.constant 0 : i32
      %dma_start3A_78 = tpu.memref_slice %arg2[%dma_start3A_76, %dma_start3A_77] : memref<10000x128xf32, #tpu.memory_space<hbm>> -> memref<10000x128xf32, #tpu.memory_space<hbm>>
      tpu.enqueue_indirect_dma source(%dma_start3A_78 : memref<10000x128xf32, #tpu.memory_space<hbm>>) target(%arg11 : memref<128x128xf32, #tpu.memory_space<vmem>>) offsets(%arg7 : memref<128xi32, #tpu.memory_space<vmem>>) semaphore(%arg19 : memref<!tpu.dma_semaphore, #tpu.memory_space<semaphore_mem>>)
      %dma_start3A_79 = arith.constant 0 : i32
      %dma_start3A_80 = arith.constant 0 : i32
      %dma_start3A_81 = tpu.memref_slice %arg2[%dma_start3A_79, %dma_start3A_80] : memref<10000x128xf32, #tpu.memory_space<hbm>> -> memref<10000x128xf32, #tpu.memory_space<hbm>>
      tpu.enqueue_indirect_dma source(%dma_start3A_81 : memref<10000x128xf32, #tpu.memory_space<hbm>>) target(%arg13 : memref<128x128xf32, #tpu.memory_space<vmem>>) offsets(%arg9 : memref<128xi32, #tpu.memory_space<vmem>>) semaphore(%arg19 : memref<!tpu.dma_semaphore, #tpu.memory_space<semaphore_mem>>)
      %sub3A = arith.constant 1 : i32
      %sub3A_82 = arith.subi %add3A_67, %sub3A : i32
      %dma_wait3A_83 = arith.constant 0 : i32
      %dma_wait3A_84 = arith.constant 0 : i32
      %dma_wait3A_85 = tpu.memref_slice %arg2[%dma_wait3A_83, %dma_wait3A_84] : memref<10000x128xf32, #tpu.memory_space<hbm>> -> memref<128x128xf32, #tpu.memory_space<hbm>>
      %dma_wait3A_86 = arith.constant 0 : i32
      %dma_wait3A_87 = arith.constant 0 : i32
      %dma_wait3A_88 = tpu.memref_slice %arg2[%dma_wait3A_86, %dma_wait3A_87] : memref<10000x128xf32, #tpu.memory_space<hbm>> -> memref<128x128xf32, #tpu.memory_space<hbm>>
      tpu.wait_dma2 semaphore(%arg18 : memref<!tpu.dma_semaphore, #tpu.memory_space<semaphore_mem>>) src(%dma_wait3A_88 : memref<128x128xf32, #tpu.memory_space<hbm>>) dst(%arg10 : memref<128x128xf32, #tpu.memory_space<vmem>>)
      %dma_wait3A_89 = arith.constant 0 : i32
      %dma_wait3A_90 = arith.constant 0 : i32
      %dma_wait3A_91 = tpu.memref_slice %arg2[%dma_wait3A_89, %dma_wait3A_90] : memref<10000x128xf32, #tpu.memory_space<hbm>> -> memref<128x128xf32, #tpu.memory_space<hbm>>
      %dma_wait3A_92 = arith.constant 0 : i32
      %dma_wait3A_93 = arith.constant 0 : i32
      %dma_wait3A_94 = tpu.memref_slice %arg2[%dma_wait3A_92, %dma_wait3A_93] : memref<10000x128xf32, #tpu.memory_space<hbm>> -> memref<128x128xf32, #tpu.memory_space<hbm>>
      tpu.wait_dma2 semaphore(%arg18 : memref<!tpu.dma_semaphore, #tpu.memory_space<semaphore_mem>>) src(%dma_wait3A_94 : memref<128x128xf32, #tpu.memory_space<hbm>>) dst(%arg12 : memref<128x128xf32, #tpu.memory_space<vmem>>)
      %scan3A_95 = arith.constant 0 : i32
      %scan3A_96 = arith.constant 0 : i32
      %scan3A_97 = arith.constant 128 : i32
      %scan3A_98 = arith.addi %scan3A_96, %scan3A_97 : i32
      %scan3A_99 = arith.constant 1 : i32
      %scan3A_100 = scf.for %scan3A_169 = %scan3A_96 to %scan3A_98 step %scan3A_99 iter_args(%scan3A_170 = %scan3A_95) -> (i32)  : i32 {
        %get3A = arith.index_cast %scan3A_169 : i32 to index
        %get3A_171 = arith.constant 0 : index
        %get3A_172 = tpu.vector_load %arg10[%get3A, %get3A_171] {strides = array<i32>} : memref<128x128xf32, #tpu.memory_space<vmem>>, vector<1x16xf32>,
        %get3A_173 = vector.shape_cast %get3A_172 : vector<1x16xf32> to vector<16xf32>
        %get3A_174 = arith.index_cast %scan3A_169 : i32 to index
        %get3A_175 = arith.constant 0 : index
        %get3A_176 = tpu.vector_load %arg12[%get3A_174, %get3A_175] {strides = array<i32>} : memref<128x128xf32, #tpu.memory_space<vmem>>, vector<1x16xf32>,
        %get3A_177 = vector.shape_cast %get3A_176 : vector<1x16xf32> to vector<16xf32>
        %sub3A_178 = arith.subf %get3A_173, %get3A_177 : vector<16xf32>
        %mul3A_179 = arith.mulf %sub3A_178, %sub3A_178 : vector<16xf32>
        %swap3A = arith.index_cast %scan3A_169 : i32 to index
        %swap3A_180 = arith.constant 0 : index
        %swap3A_181 = tpu.vector_load %arg14[%swap3A, %swap3A_180] {strides = array<i32>} : memref<128x16xf32, #tpu.memory_space<vmem>>, vector<1x16xf32>,
        %swap3A_182 = vector.shape_cast %swap3A_181 : vector<1x16xf32> to vector<16xf32>
        %swap3A_183 = vector.shape_cast %mul3A_179 : vector<16xf32> to vector<1x16xf32>
        tpu.vector_store %arg14[%swap3A, %swap3A_180], %swap3A_183 {strides = array<i32>} : memref<128x16xf32, #tpu.memory_space<vmem>>, vector<1x16xf32>,
        %scan3A_184 = arith.constant 0 : i32
        scf.yield %scan3A_184 : i32
      }
      %scan3A_101 = arith.constant 128 : i32
      %mul3A_102 = arith.constant 128 : i32
      %mul3A_103 = arith.muli %sub3A_82, %mul3A_102 : i32
      %add3A_104 = arith.addi %mul3A_2, %mul3A_103 : i32
      "tpu.region"() ({
        %run_scoped3A = tpu.sem_alloc : memref<!tpu.dma_semaphore, #tpu.memory_space<semaphore_mem>>
        %dma_start3A_169 = arith.constant 0 : i32
        %dma_start3A_170 = tpu.memref_slice %arg5[%add3A_104, %dma_start3A_169] : memref<323584x16xf32, #tpu.memory_space<hbm>> -> memref<128x16xf32, #tpu.memory_space<hbm>>
        %dma_start3A_171 = arith.constant 0 : i32
        %dma_start3A_172 = tpu.memref_slice %arg5[%add3A_104, %dma_start3A_171] : memref<323584x16xf32, #tpu.memory_space<hbm>> -> memref<128x16xf32, #tpu.memory_space<hbm>>
        tpu.enqueue_dma source(%arg14 : memref<128x16xf32, #tpu.memory_space<vmem>>) target(%dma_start3A_172 : memref<128x16xf32, #tpu.memory_space<hbm>>) target_semaphore(%run_scoped3A : memref<!tpu.dma_semaphore, #tpu.memory_space<semaphore_mem>>)
        %dma_wait3A_173 = arith.constant 0 : i32
        %dma_wait3A_174 = tpu.memref_slice %arg5[%add3A_104, %dma_wait3A_173] : memref<323584x16xf32, #tpu.memory_space<hbm>> -> memref<128x16xf32, #tpu.memory_space<hbm>>
        %dma_wait3A_175 = arith.constant 0 : i32
        %dma_wait3A_176 = tpu.memref_slice %arg5[%add3A_104, %dma_wait3A_175] : memref<323584x16xf32, #tpu.memory_space<hbm>> -> memref<128x16xf32, #tpu.memory_space<hbm>>
        tpu.wait_dma2 semaphore(%run_scoped3A : memref<!tpu.dma_semaphore, #tpu.memory_space<semaphore_mem>>) src(%arg14 : memref<128x16xf32, #tpu.memory_space<vmem>>) dst(%dma_wait3A_176 : memref<128x16xf32, #tpu.memory_space<hbm>>)
        tpu.yield
      }) : () -> ()
      %add3A_105 = arith.constant 1 : i32
      %add3A_106 = arith.addi %add3A_67, %add3A_105 : i32
      %min3A = arith.constant 78 : i32
      %min3A_107 = arith.minsi %add3A_106, %min3A : i32
      %mul3A_108 = arith.constant 128 : i32
      %mul3A_109 = arith.muli %min3A_107, %mul3A_108 : i32
      %add3A_110 = arith.addi %mul3A_2, %mul3A_109 : i32
      %dma_start3A_111 = tpu.memref_slice %arg3[%add3A_110] : memref<323584xi32, #tpu.memory_space<hbm>> -> memref<128xi32, #tpu.memory_space<hbm>>
      %dma_start3A_112 = tpu.memref_slice %arg3[%add3A_110] : memref<323584xi32, #tpu.memory_space<hbm>> -> memref<128xi32, #tpu.memory_space<hbm>>
      tpu.enqueue_dma source(%dma_start3A_112 : memref<128xi32, #tpu.memory_space<hbm>>) target(%arg6 : memref<128xi32, #tpu.memory_space<vmem>>) target_semaphore(%arg16 : memref<!tpu.dma_semaphore, #tpu.memory_space<semaphore_mem>>)
      %dma_start3A_113 = tpu.memref_slice %arg4[%add3A_110] : memref<323584xi32, #tpu.memory_space<hbm>> -> memref<128xi32, #tpu.memory_space<hbm>>
      %dma_start3A_114 = tpu.memref_slice %arg4[%add3A_110] : memref<323584xi32, #tpu.memory_space<hbm>> -> memref<128xi32, #tpu.memory_space<hbm>>
      tpu.enqueue_dma source(%dma_start3A_114 : memref<128xi32, #tpu.memory_space<hbm>>) target(%arg8 : memref<128xi32, #tpu.memory_space<vmem>>) target_semaphore(%arg16 : memref<!tpu.dma_semaphore, #tpu.memory_space<semaphore_mem>>)
      %mul3A_115 = arith.constant 2 : i32
      %mul3A_116 = arith.muli %mul3A_115, %scan3A_62 : i32
      %add3A_117 = arith.constant 2 : i32
      %add3A_118 = arith.addi %mul3A_116, %add3A_117 : i32
      %dma_wait3A_119 = arith.constant 0 : i32
      %dma_wait3A_120 = tpu.memref_slice %arg3[%dma_wait3A_119] : memref<323584xi32, #tpu.memory_space<hbm>> -> memref<128xi32, #tpu.memory_space<hbm>>
      %dma_wait3A_121 = arith.constant 0 : i32
      %dma_wait3A_122 = tpu.memref_slice %arg3[%dma_wait3A_121] : memref<323584xi32, #tpu.memory_space<hbm>> -> memref<128xi32, #tpu.memory_space<hbm>>
      tpu.wait_dma2 semaphore(%arg16 : memref<!tpu.dma_semaphore, #tpu.memory_space<semaphore_mem>>) src(%dma_wait3A_122 : memref<128xi32, #tpu.memory_space<hbm>>) dst(%arg6 : memref<128xi32, #tpu.memory_space<vmem>>)
      %dma_wait3A_123 = arith.constant 0 : i32
      %dma_wait3A_124 = tpu.memref_slice %arg3[%dma_wait3A_123] : memref<323584xi32, #tpu.memory_space<hbm>> -> memref<128xi32, #tpu.memory_space<hbm>>
      %dma_wait3A_125 = arith.constant 0 : i32
      %dma_wait3A_126 = tpu.memref_slice %arg3[%dma_wait3A_125] : memref<323584xi32, #tpu.memory_space<hbm>> -> memref<128xi32, #tpu.memory_space<hbm>>
      tpu.wait_dma2 semaphore(%arg16 : memref<!tpu.dma_semaphore, #tpu.memory_space<semaphore_mem>>) src(%dma_wait3A_126 : memref<128xi32, #tpu.memory_space<hbm>>) dst(%arg8 : memref<128xi32, #tpu.memory_space<vmem>>)
      %dma_start3A_127 = arith.constant 0 : i32
      %dma_start3A_128 = arith.constant 0 : i32
      %dma_start3A_129 = tpu.memref_slice %arg2[%dma_start3A_127, %dma_start3A_128] : memref<10000x128xf32, #tpu.memory_space<hbm>> -> memref<10000x128xf32, #tpu.memory_space<hbm>>
      tpu.enqueue_indirect_dma source(%dma_start3A_129 : memref<10000x128xf32, #tpu.memory_space<hbm>>) target(%arg10 : memref<128x128xf32, #tpu.memory_space<vmem>>) offsets(%arg6 : memref<128xi32, #tpu.memory_space<vmem>>) semaphore(%arg18 : memref<!tpu.dma_semaphore, #tpu.memory_space<semaphore_mem>>)
      %dma_start3A_130 = arith.constant 0 : i32
      %dma_start3A_131 = arith.constant 0 : i32
      %dma_start3A_132 = tpu.memref_slice %arg2[%dma_start3A_130, %dma_start3A_131] : memref<10000x128xf32, #tpu.memory_space<hbm>> -> memref<10000x128xf32, #tpu.memory_space<hbm>>
      tpu.enqueue_indirect_dma source(%dma_start3A_132 : memref<10000x128xf32, #tpu.memory_space<hbm>>) target(%arg12 : memref<128x128xf32, #tpu.memory_space<vmem>>) offsets(%arg8 : memref<128xi32, #tpu.memory_space<vmem>>) semaphore(%arg18 : memref<!tpu.dma_semaphore, #tpu.memory_space<semaphore_mem>>)
      %sub3A_133 = arith.constant 1 : i32
      %sub3A_134 = arith.subi %add3A_118, %sub3A_133 : i32
      %dma_wait3A_135 = arith.constant 0 : i32
      %dma_wait3A_136 = arith.constant 0 : i32
      %dma_wait3A_137 = tpu.memref_slice %arg2[%dma_wait3A_135, %dma_wait3A_136] : memref<10000x128xf32, #tpu.memory_space<hbm>> -> memref<128x128xf32, #tpu.memory_space<hbm>>
      %dma_wait3A_138 = arith.constant 0 : i32
      %dma_wait3A_139 = arith.constant 0 : i32
      %dma_wait3A_140 = tpu.memref_slice %arg2[%dma_wait3A_138, %dma_wait3A_139] : memref<10000x128xf32, #tpu.memory_space<hbm>> -> memref<128x128xf32, #tpu.memory_space<hbm>>
      tpu.wait_dma2 semaphore(%arg19 : memref<!tpu.dma_semaphore, #tpu.memory_space<semaphore_mem>>) src(%dma_wait3A_140 : memref<128x128xf32, #tpu.memory_space<hbm>>) dst(%arg11 : memref<128x128xf32, #tpu.memory_space<vmem>>)
      %dma_wait3A_141 = arith.constant 0 : i32
      %dma_wait3A_142 = arith.constant 0 : i32
      %dma_wait3A_143 = tpu.memref_slice %arg2[%dma_wait3A_141, %dma_wait3A_142] : memref<10000x128xf32, #tpu.memory_space<hbm>> -> memref<128x128xf32, #tpu.memory_space<hbm>>
      %dma_wait3A_144 = arith.constant 0 : i32
      %dma_wait3A_145 = arith.constant 0 : i32
      %dma_wait3A_146 = tpu.memref_slice %arg2[%dma_wait3A_144, %dma_wait3A_145] : memref<10000x128xf32, #tpu.memory_space<hbm>> -> memref<128x128xf32, #tpu.memory_space<hbm>>
      tpu.wait_dma2 semaphore(%arg19 : memref<!tpu.dma_semaphore, #tpu.memory_space<semaphore_mem>>) src(%dma_wait3A_146 : memref<128x128xf32, #tpu.memory_space<hbm>>) dst(%arg13 : memref<128x128xf32, #tpu.memory_space<vmem>>)
      %scan3A_147 = arith.constant 0 : i32
      %scan3A_148 = arith.constant 0 : i32
      %scan3A_149 = arith.constant 128 : i32
      %scan3A_150 = arith.addi %scan3A_148, %scan3A_149 : i32
      %scan3A_151 = arith.constant 1 : i32
      %scan3A_152 = scf.for %scan3A_169 = %scan3A_148 to %scan3A_150 step %scan3A_151 iter_args(%scan3A_170 = %scan3A_147) -> (i32)  : i32 {
        %get3A = arith.index_cast %scan3A_169 : i32 to index
        %get3A_171 = arith.constant 0 : index
        %get3A_172 = tpu.vector_load %arg11[%get3A, %get3A_171] {strides = array<i32>} : memref<128x128xf32, #tpu.memory_space<vmem>>, vector<1x16xf32>,
        %get3A_173 = vector.shape_cast %get3A_172 : vector<1x16xf32> to vector<16xf32>
        %get3A_174 = arith.index_cast %scan3A_169 : i32 to index
        %get3A_175 = arith.constant 0 : index
        %get3A_176 = tpu.vector_load %arg13[%get3A_174, %get3A_175] {strides = array<i32>} : memref<128x128xf32, #tpu.memory_space<vmem>>, vector<1x16xf32>,
        %get3A_177 = vector.shape_cast %get3A_176 : vector<1x16xf32> to vector<16xf32>
        %sub3A_178 = arith.subf %get3A_173, %get3A_177 : vector<16xf32>
        %mul3A_179 = arith.mulf %sub3A_178, %sub3A_178 : vector<16xf32>
        %swap3A = arith.index_cast %scan3A_169 : i32 to index
        %swap3A_180 = arith.constant 0 : index
        %swap3A_181 = tpu.vector_load %arg15[%swap3A, %swap3A_180] {strides = array<i32>} : memref<128x16xf32, #tpu.memory_space<vmem>>, vector<1x16xf32>,
        %swap3A_182 = vector.shape_cast %swap3A_181 : vector<1x16xf32> to vector<16xf32>
        %swap3A_183 = vector.shape_cast %mul3A_179 : vector<16xf32> to vector<1x16xf32>
        tpu.vector_store %arg15[%swap3A, %swap3A_180], %swap3A_183 {strides = array<i32>} : memref<128x16xf32, #tpu.memory_space<vmem>>, vector<1x16xf32>,
        %scan3A_184 = arith.constant 0 : i32
        scf.yield %scan3A_184 : i32
      }
      %scan3A_153 = arith.constant 128 : i32
      %mul3A_154 = arith.constant 128 : i32
      %mul3A_155 = arith.muli %sub3A_134, %mul3A_154 : i32
      %add3A_156 = arith.addi %mul3A_2, %mul3A_155 : i32
      "tpu.region"() ({
        %run_scoped3A = tpu.sem_alloc : memref<!tpu.dma_semaphore, #tpu.memory_space<semaphore_mem>>
        %dma_start3A_169 = arith.constant 0 : i32
        %dma_start3A_170 = tpu.memref_slice %arg5[%add3A_156, %dma_start3A_169] : memref<323584x16xf32, #tpu.memory_space<hbm>> -> memref<128x16xf32, #tpu.memory_space<hbm>>
        %dma_start3A_171 = arith.constant 0 : i32
        %dma_start3A_172 = tpu.memref_slice %arg5[%add3A_156, %dma_start3A_171] : memref<323584x16xf32, #tpu.memory_space<hbm>> -> memref<128x16xf32, #tpu.memory_space<hbm>>
        tpu.enqueue_dma source(%arg15 : memref<128x16xf32, #tpu.memory_space<vmem>>) target(%dma_start3A_172 : memref<128x16xf32, #tpu.memory_space<hbm>>) target_semaphore(%run_scoped3A : memref<!tpu.dma_semaphore, #tpu.memory_space<semaphore_mem>>)
        %dma_wait3A_173 = arith.constant 0 : i32
        %dma_wait3A_174 = tpu.memref_slice %arg5[%add3A_156, %dma_wait3A_173] : memref<323584x16xf32, #tpu.memory_space<hbm>> -> memref<128x16xf32, #tpu.memory_space<hbm>>
        %dma_wait3A_175 = arith.constant 0 : i32
        %dma_wait3A_176 = tpu.memref_slice %arg5[%add3A_156, %dma_wait3A_175] : memref<323584x16xf32, #tpu.memory_space<hbm>> -> memref<128x16xf32, #tpu.memory_space<hbm>>
        tpu.wait_dma2 semaphore(%run_scoped3A : memref<!tpu.dma_semaphore, #tpu.memory_space<semaphore_mem>>) src(%arg15 : memref<128x16xf32, #tpu.memory_space<vmem>>) dst(%dma_wait3A_176 : memref<128x16xf32, #tpu.memory_space<hbm>>)
        tpu.yield
      }) : () -> ()
      %add3A_157 = arith.constant 1 : i32
      %add3A_158 = arith.addi %add3A_118, %add3A_157 : i32
      %min3A_159 = arith.constant 78 : i32
      %min3A_160 = arith.minsi %add3A_158, %min3A_159 : i32
      %mul3A_161 = arith.constant 128 : i32
      %mul3A_162 = arith.muli %min3A_160, %mul3A_161 : i32
      %add3A_163 = arith.addi %mul3A_2, %mul3A_162 : i32
      %dma_start3A_164 = tpu.memref_slice %arg3[%add3A_163] : memref<323584xi32, #tpu.memory_space<hbm>> -> memref<128xi32, #tpu.memory_space<hbm>>
      %dma_start3A_165 = tpu.memref_slice %arg3[%add3A_163] : memref<323584xi32, #tpu.memory_space<hbm>> -> memref<128xi32, #tpu.memory_space<hbm>>
      tpu.enqueue_dma source(%dma_start3A_165 : memref<128xi32, #tpu.memory_space<hbm>>) target(%arg7 : memref<128xi32, #tpu.memory_space<vmem>>) target_semaphore(%arg17 : memref<!tpu.dma_semaphore, #tpu.memory_space<semaphore_mem>>)
      %dma_start3A_166 = tpu.memref_slice %arg4[%add3A_163] : memref<323584xi32, #tpu.memory_space<hbm>> -> memref<128xi32, #tpu.memory_space<hbm>>
      %dma_start3A_167 = tpu.memref_slice %arg4[%add3A_163] : memref<323584xi32, #tpu.memory_space<hbm>> -> memref<128xi32, #tpu.memory_space<hbm>>
      tpu.enqueue_dma source(%dma_start3A_167 : memref<128xi32, #tpu.memory_space<hbm>>) target(%arg9 : memref<128xi32, #tpu.memory_space<vmem>>) target_semaphore(%arg17 : memref<!tpu.dma_semaphore, #tpu.memory_space<semaphore_mem>>)
      %scan3A_168 = arith.constant 0 : i32
      scf.yield %scan3A_168 : i32
    }
    %scan3A_32 = arith.constant 39 : i32
    %dma_wait3A_33 = arith.constant 0 : i32
    %dma_wait3A_34 = tpu.memref_slice %arg3[%dma_wait3A_33] : memref<323584xi32, #tpu.memory_space<hbm>> -> memref<128xi32, #tpu.memory_space<hbm>>
    %dma_wait3A_35 = arith.constant 0 : i32
    %dma_wait3A_36 = tpu.memref_slice %arg3[%dma_wait3A_35] : memref<323584xi32, #tpu.memory_space<hbm>> -> memref<128xi32, #tpu.memory_space<hbm>>
    tpu.wait_dma2 semaphore(%arg17 : memref<!tpu.dma_semaphore, #tpu.memory_space<semaphore_mem>>) src(%dma_wait3A_36 : memref<128xi32, #tpu.memory_space<hbm>>) dst(%arg7 : memref<128xi32, #tpu.memory_space<vmem>>)
    %dma_wait3A_37 = arith.constant 0 : i32
    %dma_wait3A_38 = tpu.memref_slice %arg3[%dma_wait3A_37] : memref<323584xi32, #tpu.memory_space<hbm>> -> memref<128xi32, #tpu.memory_space<hbm>>
    %dma_wait3A_39 = arith.constant 0 : i32
    %dma_wait3A_40 = tpu.memref_slice %arg3[%dma_wait3A_39] : memref<323584xi32, #tpu.memory_space<hbm>> -> memref<128xi32, #tpu.memory_space<hbm>>
    tpu.wait_dma2 semaphore(%arg17 : memref<!tpu.dma_semaphore, #tpu.memory_space<semaphore_mem>>) src(%dma_wait3A_40 : memref<128xi32, #tpu.memory_space<hbm>>) dst(%arg9 : memref<128xi32, #tpu.memory_space<vmem>>)
    %dma_wait3A_41 = arith.constant 0 : i32
    %dma_wait3A_42 = arith.constant 0 : i32
    %dma_wait3A_43 = tpu.memref_slice %arg2[%dma_wait3A_41, %dma_wait3A_42] : memref<10000x128xf32, #tpu.memory_space<hbm>> -> memref<128x128xf32, #tpu.memory_space<hbm>>
    %dma_wait3A_44 = arith.constant 0 : i32
    %dma_wait3A_45 = arith.constant 0 : i32
    %dma_wait3A_46 = tpu.memref_slice %arg2[%dma_wait3A_44, %dma_wait3A_45] : memref<10000x128xf32, #tpu.memory_space<hbm>> -> memref<128x128xf32, #tpu.memory_space<hbm>>
    tpu.wait_dma2 semaphore(%arg18 : memref<!tpu.dma_semaphore, #tpu.memory_space<semaphore_mem>>) src(%dma_wait3A_46 : memref<128x128xf32, #tpu.memory_space<hbm>>) dst(%arg10 : memref<128x128xf32, #tpu.memory_space<vmem>>)
    %dma_wait3A_47 = arith.constant 0 : i32
    %dma_wait3A_48 = arith.constant 0 : i32
    %dma_wait3A_49 = tpu.memref_slice %arg2[%dma_wait3A_47, %dma_wait3A_48] : memref<10000x128xf32, #tpu.memory_space<hbm>> -> memref<128x128xf32, #tpu.memory_space<hbm>>
    %dma_wait3A_50 = arith.constant 0 : i32
    %dma_wait3A_51 = arith.constant 0 : i32
    %dma_wait3A_52 = tpu.memref_slice %arg2[%dma_wait3A_50, %dma_wait3A_51] : memref<10000x128xf32, #tpu.memory_space<hbm>> -> memref<128x128xf32, #tpu.memory_space<hbm>>
    tpu.wait_dma2 semaphore(%arg18 : memref<!tpu.dma_semaphore, #tpu.memory_space<semaphore_mem>>) src(%dma_wait3A_52 : memref<128x128xf32, #tpu.memory_space<hbm>>) dst(%arg12 : memref<128x128xf32, #tpu.memory_space<vmem>>)
    %scan3A_53 = arith.constant 0 : i32
    %scan3A_54 = arith.constant 0 : i32
    %scan3A_55 = arith.constant 128 : i32
    %scan3A_56 = arith.addi %scan3A_54, %scan3A_55 : i32
    %scan3A_57 = arith.constant 1 : i32
    %scan3A_58 = scf.for %scan3A_62 = %scan3A_54 to %scan3A_56 step %scan3A_57 iter_args(%scan3A_63 = %scan3A_53) -> (i32)  : i32 {
      %get3A = arith.index_cast %scan3A_62 : i32 to index
      %get3A_64 = arith.constant 0 : index
      %get3A_65 = tpu.vector_load %arg10[%get3A, %get3A_64] {strides = array<i32>} : memref<128x128xf32, #tpu.memory_space<vmem>>, vector<1x16xf32>,
      %get3A_66 = vector.shape_cast %get3A_65 : vector<1x16xf32> to vector<16xf32>
      %get3A_67 = arith.index_cast %scan3A_62 : i32 to index
      %get3A_68 = arith.constant 0 : index
      %get3A_69 = tpu.vector_load %arg12[%get3A_67, %get3A_68] {strides = array<i32>} : memref<128x128xf32, #tpu.memory_space<vmem>>, vector<1x16xf32>,
      %get3A_70 = vector.shape_cast %get3A_69 : vector<1x16xf32> to vector<16xf32>
      %sub3A = arith.subf %get3A_66, %get3A_70 : vector<16xf32>
      %mul3A_71 = arith.mulf %sub3A, %sub3A : vector<16xf32>
      %swap3A = arith.index_cast %scan3A_62 : i32 to index
      %swap3A_72 = arith.constant 0 : index
      %swap3A_73 = tpu.vector_load %arg14[%swap3A, %swap3A_72] {strides = array<i32>} : memref<128x16xf32, #tpu.memory_space<vmem>>, vector<1x16xf32>,
      %swap3A_74 = vector.shape_cast %swap3A_73 : vector<1x16xf32> to vector<16xf32>
      %swap3A_75 = vector.shape_cast %mul3A_71 : vector<16xf32> to vector<1x16xf32>
      tpu.vector_store %arg14[%swap3A, %swap3A_72], %swap3A_75 {strides = array<i32>} : memref<128x16xf32, #tpu.memory_space<vmem>>, vector<1x16xf32>,
      %scan3A_76 = arith.constant 0 : i32
      scf.yield %scan3A_76 : i32
    }
    %scan3A_59 = arith.constant 128 : i32
    %add3A_60 = arith.constant 9984 : i32
    %add3A_61 = arith.addi %mul3A_2, %add3A_60 : i32
    "tpu.region"() ({
      %run_scoped3A = tpu.sem_alloc : memref<!tpu.dma_semaphore, #tpu.memory_space<semaphore_mem>>
      %dma_start3A_62 = arith.constant 0 : i32
      %dma_start3A_63 = tpu.memref_slice %arg5[%add3A_61, %dma_start3A_62] : memref<323584x16xf32, #tpu.memory_space<hbm>> -> memref<128x16xf32, #tpu.memory_space<hbm>>
      %dma_start3A_64 = arith.constant 0 : i32
      %dma_start3A_65 = tpu.memref_slice %arg5[%add3A_61, %dma_start3A_64] : memref<323584x16xf32, #tpu.memory_space<hbm>> -> memref<128x16xf32, #tpu.memory_space<hbm>>
      tpu.enqueue_dma source(%arg14 : memref<128x16xf32, #tpu.memory_space<vmem>>) target(%dma_start3A_65 : memref<128x16xf32, #tpu.memory_space<hbm>>) target_semaphore(%run_scoped3A : memref<!tpu.dma_semaphore, #tpu.memory_space<semaphore_mem>>)
      %dma_wait3A_66 = arith.constant 0 : i32
      %dma_wait3A_67 = tpu.memref_slice %arg5[%add3A_61, %dma_wait3A_66] : memref<323584x16xf32, #tpu.memory_space<hbm>> -> memref<128x16xf32, #tpu.memory_space<hbm>>
      %dma_wait3A_68 = arith.constant 0 : i32
      %dma_wait3A_69 = tpu.memref_slice %arg5[%add3A_61, %dma_wait3A_68] : memref<323584x16xf32, #tpu.memory_space<hbm>> -> memref<128x16xf32, #tpu.memory_space<hbm>>
      tpu.wait_dma2 semaphore(%run_scoped3A : memref<!tpu.dma_semaphore, #tpu.memory_space<semaphore_mem>>) src(%arg14 : memref<128x16xf32, #tpu.memory_space<vmem>>) dst(%dma_wait3A_69 : memref<128x16xf32, #tpu.memory_space<hbm>>)
      tpu.yield
    }) : () -> ()
    return
  }
}

</mosaic_0001>

<sc_bundles>
// kernel: _sc_geom.3.cloned.1.call-start
scs
__scs_entry_jumppad:
0x0: {  	(pc) =	sbr.rel $0x88, $3  }
0x1: {  	(tag) =	ssettag $0x0;
	lr =	simm.s32 $0x1  }
0x2: {  	[smem:$0x3F9E] =	sst lr;
	_ =	strace $0xD0000000  }
0x3: {  	_ = 	snop  }
0x4: {  	_ = 	snop  }
0x5: {  	_ = 	snop  }
0x6: {  	_ = 	snop  }
0x7: {  	_ = 	snop  }
__scs_overlays_trampoline_lowered:
0x8: {  	[smem:$0x3FAD] =	sst s0  }
0x9: {  	[smem:$0x3FAE] =	sst s1  }
0xa: {  	[smem:$0x3FAF] =	sst s2  }
0xb: {  	[smem:$0x3FB0] =	sst s3  }
0xc: {  	[smem:$0x3FB1] =	sst s4  }
0xd: {  	[smem:$0x3FB2] =	sst s5  }
0xe: {  	[smem:$0x3FB3] =	sst s6  }
0xf: {  	[smem:$0x3FB4] =	sst s7  }
0x10: {  	[smem:$0x3FB5] =	sst s8  }
0x11: {  	[smem:$0x3FB6] =	sst s9;
	s0 =	simm.s32 @!p0 $0x0  }
0x12: {  	s1 =	sld [smem:$0x3F9C];
	s0 =	simm.s32 @p0 $0x1  }
0x13: {  	[smem:$0x3FB7] =	sst s0;
	s0 =	simm.s32 @!p1 $0x0  }
0x14: {  	s2 =	sld [smem:$0x3F9B];
	s0 =	simm.s32 @p1 $0x1  }
0x15: {  	[smem:$0x3FB8] =	sst s0;
	s0 =	simm.s32 @!p2 $0x0  }
0x16: {  	s3 =	sld [smem:$0x3FDB];
	s0 =	simm.s32 @p2 $0x1  }
0x17: {  	s4 =	simm.s32 $0x1BF5;
	[smem:$0x3FBA] =	sst s0  }
0x18: {  	s0 =	sld [smem:$0x3F9D];
	_ =	swait.ge [sflag:s4], $0x0  }
0x19: {  	s7 =	sld [smem:$0x3F9E]  }
0x1a: {  	s8 =	sadd.s32 $0xFFFFE003, lr  }
0x1b: {  	s9 =	sadd.s32 $0xFFFFFEF7, lr;
	s5 =	simm.s32 $0xFFFFFFFF;
	p2 =	slt.u32 s8, $0xFFFFF086  }
0x1c: {  	p1 =	slt.u32 s9, $0xF7A;
	s5 =	simm.s32 @!p2 $0x0  }
0x1d: {  	s5 =	simm.s32 @p1 $0x1;
	p0 =	seq.s32 s7, s2  }
0x1e: {  	s7 =	smul.u32 @!p0 $0xF7A, s2;
	p2 =	seq.s32 @!p0 s5, $0x0  }
0x1f: {  	s9 =	smul.u32 $0xF7A, s1;
	s8 =	simm.s32 @!p0 $0x1BF5;
	p2 =	por !p2, p0  }
0x20: {  	[sflag:s8] =	ssyncset.s32 @!p0 $0xFFFFF086;
	s6 =	sadd.s32 @!p0 s3, s7;
	s7 =	simm.s32 @!p0 $0x108  }
0x21: {  	s3 =	sadd.s32 s3, s9;
	s6 =	sadd.s32 @!p0 $0x88, s6;
	s7 =	simm.s32 @p2 $0x1082  }
0x22: {  	[simem:s7], [sflag:s8] =	dma.local @!p0 [hbm:s6], $0xF7A  }
0x23: {  	s9 =	sor.u32 $0xD0000000, s2;
	s6 =	simm.s32 $0x108;
	_ =	swait.ge @!p0 [sflag:s8], $0x0  }
0x24: {  	s3 =	sadd.s32 $0x88, s3;
	s6 =	simm.s32 @!p1 $0x1082;
	[sflag:s4] =	ssyncset.s32 $0xFFFFF086  }
0x25: {  	[simem:s6], [sflag:s4] =	dma.local [hbm:s3], $0xF7A  }
0x26: {  	[smem:$0x3F9E] =	sst s1;
	(tag) =	ssettag s2;
	_ =	strace s9  }
0x27: {  	s1 =	sld [smem:$0x3FAE]  }
0x28: {  	s2 =	sld [smem:$0x3FAF]  }
0x29: {  	s4 =	sld [smem:$0x3FB1]  }
0x2a: {  	p0 =	seq.s32 s5, $0x0;
	s5 =	sld [smem:$0x3FB2]  }
0x2b: {  	s6 =	sld [smem:$0x3FB3]  }
0x2c: {  	s7 =	sld [smem:$0x3FB4]  }
0x2d: {  	s3 =	simm.s32 $0x108;
	s8 =	sld [smem:$0x3FB5]  }
0x2e: {  	s3 =	simm.s32 @!p0 $0x1082;
	s9 =	sld [smem:$0x3FB6]  }
0x2f: {  	lr =	sadd.s32 s0, s3;
	s0 =	sld [smem:$0x3FAD]  }
0x30: {  	s3 =	sld [smem:$0x3FB0]  }
0x31: {  	[smem:$0x3FB9] =	sst s10  }
0x32: {  	s10 =	sld [smem:$0x3FB7];
	_ =	sdelay $0x3  }
0x33: {  	p0 =	seq.s32 s10, $0x1;
	s10 =	sld [smem:$0x3FB9];
	_ =	sdelay $0x3  }
0x34: {  	[smem:$0x3FB9] =	sst s10  }
0x35: {  	s10 =	sld [smem:$0x3FB8];
	_ =	sdelay $0x3  }
0x36: {  	p1 =	seq.s32 s10, $0x1;
	s10 =	sld [smem:$0x3FB9];
	_ =	sdelay $0x3  }
0x37: {  	[smem:$0x3FB9] =	sst s10  }
0x38: {  	s10 =	sld [smem:$0x3FBA]  }
0x39: {  	_ = 	snop;
	(pc) =	sbr.ind lr, $3  }
0x3a: {  	_ = 	snop  }
0x3b: {  	_ = 	snop  }
0x3c: {  	p2 =	seq.s32 s10, $0x1;
	s10 =	sld [smem:$0x3FB9]  }
0x3d: {  	_ =	shalt  }
0x3e: {  	_ =	shalt  }
0x3f: {  	_ =	shalt  }
0x40: {  	_ =	shalt  }
0x41: {  	_ =	shalt  }
0x42: {  	_ =	shalt  }
0x43: {  	_ =	shalt  }
0x44: {  	_ =	shalt  }
0x45: {  	_ =	shalt  }
0x46: {  	_ =	shalt  }
0x47: {  	_ =	shalt  }
0x48: {  	_ =	shalt  }
0x49: {  	_ =	shalt  }
0x4a: {  	_ =	shalt  }
0x4b: {  	_ =	shalt  }
0x4c: {  	_ =	shalt  }
0x4d: {  	_ =	shalt  }
0x4e: {  	_ =	shalt  }
0x4f: {  	_ =	shalt  }
0x50: {  	_ =	shalt  }
0x51: {  	_ =	shalt  }
0x52: {  	_ =	shalt  }
0x53: {  	_ =	shalt  }
0x54: {  	_ =	shalt  }
0x55: {  	_ =	shalt  }
0x56: {  	_ =	shalt  }
0x57: {  	_ =	shalt  }
0x58: {  	_ =	shalt  }
0x59: {  	_ =	shalt  }
0x5a: {  	_ =	shalt  }
0x5b: {  	_ =	shalt  }
0x5c: {  	_ =	shalt  }
0x5d: {  	_ =	shalt  }
0x5e: {  	_ =	shalt  }
0x5f: {  	_ =	shalt  }
0x60: {  	_ =	shalt  }
0x61: {  	_ =	shalt  }
0x62: {  	_ =	shalt  }
0x63: {  	_ =	shalt  }
0x64: {  	_ =	shalt  }
0x65: {  	_ =	shalt  }
0x66: {  	_ =	shalt  }
0x67: {  	_ =	shalt  }
0x68: {  	_ =	shalt  }
0x69: {  	_ =	shalt  }
0x6a: {  	_ =	shalt  }
0x6b: {  	_ =	shalt  }
0x6c: {  	_ =	shalt  }
0x6d: {  	_ =	shalt  }
0x6e: {  	_ =	shalt  }
0x6f: {  	_ =	shalt  }
0x70: {  	_ =	shalt  }
0x71: {  	_ =	shalt  }
0x72: {  	_ =	shalt  }
0x73: {  	_ =	shalt  }
0x74: {  	_ =	shalt  }
0x75: {  	_ =	shalt  }
0x76: {  	_ =	shalt  }
0x77: {  	_ =	shalt  }
0x78: {  	_ =	shalt  }
0x79: {  	_ =	shalt  }
0x7a: {  	_ =	shalt  }
0x7b: {  	_ =	shalt  }
0x7c: {  	_ =	shalt  }
0x7d: {  	_ =	shalt  }
0x7e: {  	_ =	shalt  }
0x7f: {  	_ =	shalt  }
0x80: {  	_ =	shalt  }
0x81: {  	_ =	shalt  }
0x82: {  	_ =	shalt  }
0x83: {  	_ =	shalt  }
0x84: {  	_ =	shalt  }
0x85: {  	_ =	shalt  }
0x86: {  	_ =	shalt  }
0x87: {  	_ =	shalt  }
.Lfunc_end0:
.L_simem_size_0:
called_computation_lowered:
.L_overlay_start_0:
0x88: {  	s2 =	sld [smem:$0x3FD9]  }
0x89: {  	s3 =	sld [smem:$0x3FFE];
	_ =	sdelay $0x1  }
0x8a: {  	s1 =	srdreg.scid  }
0x8b: {  	s0 =	sand.u32 $0x1, s1  }
0x8c: {  	s17 =	sshll.u32 s0, $0xA;
	s2 =	sadd.s32 s3, s2  }
0x8d: {  	s2 =	sadd.s32 s2, s17  }
0x8e: {  	[smem:$0x3FC5] =	sst s2  }
0x8f: {  	_ = 	snop  }
0x90: {  	s2 =	sld [smem:$0x3FC9]  }
0x91: {  	s18 =	sld [smem:$0x3FC8]  }
0x92: {  	s4 =	sld [smem:$0x3FC7];
	(tm) =	ssettm $0x1  }
0x93: {  	s5 =	sld [smem:$0x3FFB];
	_ =	sdelay $0x3  }
0x94: {  	_ =	strace s5  }
0x95: {  	s5 =	sld [smem:$0x3FFC];
	_ =	sdelay $0x3  }
0x96: {  	_ =	strace s5  }
0x97: {  	s5 =	sld [smem:$0x3FFD];
	_ =	sdelay $0x3  }
0x98: {  	_ =	strace s5  }
0x99: {  	_ =	strace $0x8FFFFFFF  }
0x9a: {  	s19 =	sld [smem:$0x3FDB];
	_ =	sdelay $0x1  }
0x9b: {  	s6 =	simm.s32 $_scs_section_size  }
0x9c: {  	s7 =	simm.s32 $_size__tile_overlayer_lowered;
	s8 =	simm.s32 $_tile_overlayer_lowered  }
0x9d: {  	s22 =	simm.s32 $0x1BFF;
	s21 =	sshll.u32 s8, $0x1;
	s5 =	sadd.s32 s6, s19  }
0x9e: {  	s9 =	simm.s32 $0x0;
	s20 =	sshll.u32 s7, $0x1;
	s7 =	sadd.s32 s21, s5  }
0x9f: {  	[timem:s9], [sflag:s22] =	dma.local [hbm:s7], s20  }
0xa0: {  	_ =	swait.ge [sflag:s22], s20  }
0xa1: {  	s6 =	ssub.s32 $0x0, s20;
	[sflag:s22] =	ssyncset.done $0x0  }
0xa2: {  	[sflag:s22] =	ssyncadd.s32 s6;
	_ =	sdelay $0x1  }
0xa3: {  	s23 =	simm.s32 $0x1B8B  }
0xa4: {  	_ =	swait.ge [sflag:s23], $0x1  }
0xa5: {  	[sflag:s23] =	ssyncset.done $0x0  }
0xa6: {  	s25 =	simm.s32 $0x1B8E;
	s24 =	sld [smem:$0x3FFE];
	[sflag:s23] =	ssyncadd.s32 $0xFFFFFFFF  }
0xa7: {  	s26 =	simm.s32 $execute0_lowered;
	[smem:$0x3FD2] =	sst s25  }
0xa8: {  	s7 =	sshll.u32 s26, $0x1;
	_ =	strace $0x80000046;
	[dreg:$0x1] =	wrdreg $0xFFFFFFFF  }
0xa9: {  	s28 =	simm.s32 $_size_execute0_lowered;
	s5 =	sadd.s32 s5, s7;
	[dreg:$0x0] =	wrdreg $0x0  }
0xaa: {  	s7 =	sshll.u32 s28, $0x1;
	[dreg:$0x2] =	wrdreg s5  }
0xab: {  	[dreg:$0x3] =	wrdreg s7  }
0xac: {  	[dreg:$0x4] =	wrdreg $0xC0  }
0xad: {  	_ =	task [dreg:s9], $0x5FFFF  }
0xae: {  	[dreg:$0x1] =	wrdreg $0xFFFFFFFF  }
0xaf: {  	[dreg:$0x0] =	wrdreg $0x60  }
0xb0: {  	[dreg:$0x2] =	wrdreg s2  }
0xb1: {  	[dreg:$0x3] =	wrdreg s18  }
0xb2: {  	[dreg:$0x4] =	wrdreg s4  }
0xb3: {  	[dreg:$0x5] =	wrdreg s24  }
0xb4: {  	[dreg:$0x6] =	wrdreg $0x9  }
0xb5: {  	_ =	task.clear_ibuf [dreg:s9], $0x7FFFF;
	_ =	strace $0x90000046  }
0xb6: {  	s29 =	simm.s32 $0x9;
	_ =	strace $0x80000048  }
0xb7: {  	_ =	swait.ge [sflag:s29], $0x1  }
0xb8: {  	[sflag:s29] =	ssyncadd.s32 $0xFFFFFFFF  }
0xb9: {  	_ =	strace $0x90000048  }
0xba: {  	_ =	sfence  }
0xbb: {  	s30 =	sld [smem:$0x0];
	_ =	sdelay $0x2  }
0xbc: {  	s31 =	sshll.u32 s1, $0xD;
	s1 =	sshrl.u32 s1, $0x2  }
0xbd: {  	s3 =	sand.u32 $0x4000, s31;
	s1 =	sadd.s32 s1, s30  }
0xbe: {  	s0 =	sor.u32 s3, s0;
	s1 =	sshll.u32 s1, $0x11  }
0xbf: {  	s0 =	sor.u32 s1, s0  }
0xc0: {  	s0 =	sadd.s32 $0x8F2B, s0  }
0xc1: {  	[sflag:s0] =	ssyncadd.remote.s32 $0x1  }
0xc2: {  	_ =	sfence.sel $0xFFFF  }
0xc3: {  	[dreg:$0x0] =	wrdreg $0xFFFFFFFF;
	(pc) =	sbr.abs _section_cstart, $3  }
0xc4: {  	[dreg:$0x1] =	wrdreg $0xFFFFFFFF  }
0xc5: {  	_ =	task.clear_ibuf [dreg:s9], $0x2FFFF;
	_ =	strace $0x9FFFFFFF  }
0xc6: {  	(tm) =	ssettm $0x7FFFFFFF  }
0xc7: {  	_ =	shalt  }
tec
execute0_lowered:
.L_overlay_start_1:
0x0: {  	(tag) =	ssettag $0x1  }
0x1: {  	s1 =	rddreg [dreg:$0x0]  }
0x2: {  	s2 =	rddreg [dreg:$0x1]  }
0x3: {  	s4 =	rddreg [dreg:$0x2];
	s0 =	srdreg.scid  }
0x4: {  	s5 =	stileid.u32;
	s3 =	rddreg [dreg:$0x3]  }
0x5: {  	s17 =	simm.s32 $0x100;
	s18 =	simm.s32 $0x1;
	s19 =	simm.s32 $0x80  }
0x6: {  	s20 =	simm.s32 $0x200;
	s21 =	simm.s32 $0x8200;
	s28 =	simm.s32 $0x10200  }
0x7: {  	s29 =	simm.s32 $0x5;
	s30 =	simm.s32 $0x4;
	s31 =	simm.s32 $0x14200  }
0x8: {  	s0 =	sand.u32 $0x1, s0;
	s6 =	sshll.u32 s5, $0x1;
	s5 =	simm.s32 $0x0  }
0x9: {  	s7 =	sor.u32 s0, s6;
	[smem:$0x7FF] =	sst s5;
	s0 =	ssub.s32 $0x2, s0  }
0xa: {  	s6 =	sadd.s32 $0x400, s3;
	s9 =	smul.u32 $0x2780, s7;
	s8 =	sshrl.u32 s0, $0x1  }
0xb: {  	_ =	strace $0x80000047;
	s25 =	smul.u32 $0x27800, s7;
	s0 =	ssub.s32 s0, s8  }
0xc: {  	s8 =	smul.u32 $0x13C000, s7;
	s22 =	sshrl.u32 s9, $0x3;
	s12 =	sadd.s32 $0x100, s9  }
0xd: {  	s13 =	sadd.s32 $0x180, s9;
	s15 =	smax.u32 s0, $0x1;
	s23 =	sadd.s32 s2, s22  }
0xe: {  	s11 =	sadd.s32 $0x10, s22;
	s3 =	sadd.s32 s4, s22;
	[dreg:$0x5] =	wrdreg s23  }
0xf: {  	s26 =	sshrl.u32 s8, $0x3;
	s22 =	simm.s32 $0x180;
	[dreg:$0x6] =	wrdreg s3  }
0x10: {  	s24 =	sadd.s32 s2, s11;
	s11 =	sadd.s32 s4, s11;
	s7 =	sadd.s32 s6, s26  }
0x11: {  	s3 =	sadd.s32 s6, s25;
	s23 =	simm.s32 $0x2;
	s25 =	simm.s32 $0xC200  }
0x12: {  	s26 =	simm.s32 $0x3;
	[dreg:$0x7] =	wrdreg s24;
	s14 =	sadd.s32 $0x27000, s7  }
0x13: {  	s16 =	sadd.s32 $0x800, s3;
	s24 =	simm.s32 $0x4200;
	s3 =	simm.s32 $0x0  }
.LBB2_1:
0x14: {  	s0 =	rddreg [dreg:$0x5]  }
0x15: {  	[tilespmem:s5], [sflag:$0x1] =	stream.linear.gather [hbm4b:s0+s5], $0x80, $0x38;
	[tilespmem:$0x18200] =	vst v63  }
0x16: {  	s9 =	rddreg [dreg:$0x6]  }
0x17: {  	[tilespmem:s17], [sflag:$0x1] =	stream.linear.gather [hbm4b:s9+s5], $0x80, $0x38;
	[tilespmem:$0x18200] =	vst v63  }
0x18: {  	_ =	swait.ge [sflag:s18], $0x80  }
0x19: {  	[sflag:s18] =	ssyncset.done $0x0  }
0x1a: {  	[sflag:s18] =	ssyncadd.s32 $0xFFFFFF80  }
0x1b: {  	_ =	swait.ge [sflag:s18], $0x80  }
0x1c: {  	[sflag:s18] =	ssyncset.done $0x0  }
0x1d: {  	[sflag:s18] =	ssyncadd.s32 $0xFFFFFF80  }
0x1e: {  	[tilespmem:s20], [sflag:$0x3] =	stream.indirect.gather [hbm4b:s1+s19], $0x80, s5, s19, $0xb8;
	[tilespmem:$0x18200] =	vst v63  }
0x1f: {  	_ = 	snop  }
0x20: {  	[tilespmem:s21], [sflag:$0x3] =	stream.indirect.gather [hbm4b:s1+s19], $0x80, s17, s19, $0xb8;
	[tilespmem:$0x18200] =	vst v63  }
0x21: {  	s10 =	rddreg [dreg:$0x7]  }
0x22: {  	[tilespmem:s19], [sflag:$0x2] =	stream.linear.gather [hbm4b:s10+s5], $0x80, $0x38;
	[tilespmem:$0x18200] =	vst v63  }
0x23: {  	s0 =	simm.s32 $0x0  }
0x24: {  	[tilespmem:s22], [sflag:$0x2] =	stream.linear.gather [hbm4b:s11+s5], $0x80, $0x38;
	[tilespmem:$0x18200] =	vst v63  }
.LBB2_2:
0x25: {  	_ =	swait.ge [sflag:s23], $0x80  }
0x26: {  	[sflag:s23] =	ssyncset.done $0x0  }
0x27: {  	[sflag:s23] =	ssyncadd.s32 $0xFFFFFF80  }
0x28: {  	_ =	swait.ge [sflag:s23], $0x80  }
0x29: {  	[sflag:s23] =	ssyncset.done $0x0  }
0x2a: {  	[sflag:s23] =	ssyncadd.s32 $0xFFFFFF80  }
0x2b: {  	[tilespmem:s24], [sflag:$0x4] =	stream.indirect.gather [hbm4b:s1+s19], $0x80, s19, s19, $0xb8;
	[tilespmem:$0x18200] =	vst v63  }
0x2c: {  	_ = 	snop  }
0x2d: {  	[tilespmem:s25], [sflag:$0x4] =	stream.indirect.gather [hbm4b:s1+s19], $0x80, s22, s19, $0xb8;
	[tilespmem:$0x18200] =	vst v63  }
0x2e: {  	_ =	swait.ge [sflag:s26], $0x4000  }
0x2f: {  	[sflag:s26] =	ssyncset.done $0x0  }
0x30: {  	[sflag:s26] =	ssyncadd.s32 $0xFFFFC000  }
0x31: {  	_ =	swait.ge [sflag:s26], $0x4000  }
0x32: {  	[sflag:s26] =	ssyncset.done $0x0  }
0x33: {  	s7 =	simm.s32 $0x0;
	[sflag:s26] =	ssyncadd.s32 $0xFFFFC000  }
0x34: {  	v0 =	vld [tilespmem:s7+$0x200]  }
0x35: {  	v1 =	vld [tilespmem:s7+$0x8200];
	_ =	sdelay $0x2  }
0x36: {  	s9 =	simm.s32 $0x200  }
.LBB2_3:
0x37: {  	s10 =	sshra.s32 s9, $0x2;
	p0 =	sne.s32 s9, $0xFE00  }
.Ltmp0:
0x38: {  	s9 =	sadd.s32 $0x200, s9;
	v2 =	vsub.f32 v0, v1;
	v0 =	vld [tilespmem:s10+$0x200];
	(pc) =	sbr.rel @p0 .LBB2_3-.Ltmp0, $3  }
0x39: {  	v1 =	vld [tilespmem:s10+$0x8200]  }
0x3a: {  	v2 =	vmul.f32 v2, v2;
	_ =	sdelay $0x1  }
0x3b: {  	[tilespmem:s7+$0x10200] =	vst v2;
	s7 =	smov.u32 s10  }
0x3c: {  	_ = 	snop  }
0x3d: {  	v0 =	vsub.f32 v0, v1  }
0x3e: {  	s9 =	sshll.u32 s0, $0xF  }
0x3f: {  	s9 =	sadd.s32 s8, s9;
	v0 =	vmul.f32 v0, v0  }
0x40: {  	s9 =	sshrl.u32 s9, $0x3  }
0x41: {  	s10 =	sadd.s32 s6, s9;
	s9 =	simm.s32 $0x0;
	[tilespmem:s7+$0x10200] =	vst v0  }
0x42: {  	[hbm4b:s10+s9] =	stream.linear.scatter [tilespmem:s28], [sflag:$0x5], $0x4000, $0x38;
	[tilespmem:$0x18200] =	vst v63  }
0x43: {  	s10 =	sshll.u32 s0, $0x8  }
0x44: {  	_ =	swait.ge [sflag:s29], $0x4000;
	s7 =	sadd.s32 s10, s12  }
0x45: {  	[sflag:s29] =	ssyncset.done $0x0;
	s7 =	sshrl.u32 s7, $0x3  }
0x46: {  	[sflag:s29] =	ssyncadd.s32 $0xFFFFC000;
	s10 =	sadd.s32 s2, s7  }
0x47: {  	[tilespmem:s9], [sflag:$0x1] =	stream.linear.gather [hbm4b:s10+s9], $0x80, $0x38;
	[tilespmem:$0x18200] =	vst v63  }
0x48: {  	s7 =	sadd.s32 s4, s7  }
0x49: {  	[tilespmem:s17], [sflag:$0x1] =	stream.linear.gather [hbm4b:s7+s9], $0x80, $0x38;
	[tilespmem:$0x18200] =	vst v63  }
0x4a: {  	_ =	swait.ge [sflag:s18], $0x80  }
0x4b: {  	[sflag:s18] =	ssyncset.done $0x0  }
0x4c: {  	[sflag:s18] =	ssyncadd.s32 $0xFFFFFF80  }
0x4d: {  	_ =	swait.ge [sflag:s18], $0x80  }
0x4e: {  	[sflag:s18] =	ssyncset.done $0x0  }
0x4f: {  	[sflag:s18] =	ssyncadd.s32 $0xFFFFFF80  }
0x50: {  	[tilespmem:s20], [sflag:$0x3] =	stream.indirect.gather [hbm4b:s1+s19], $0x80, s9, s19, $0xb8;
	[tilespmem:$0x18200] =	vst v63  }
0x51: {  	_ = 	snop  }
0x52: {  	[tilespmem:s21], [sflag:$0x3] =	stream.indirect.gather [hbm4b:s1+s19], $0x80, s17, s19, $0xb8;
	[tilespmem:$0x18200] =	vst v63  }
0x53: {  	_ =	swait.ge [sflag:s30], $0x4000  }
0x54: {  	[sflag:s30] =	ssyncset.done $0x0  }
0x55: {  	[sflag:s30] =	ssyncadd.s32 $0xFFFFC000  }
0x56: {  	_ =	swait.ge [sflag:s30], $0x4000  }
0x57: {  	[sflag:s30] =	ssyncset.done $0x0  }
0x58: {  	s7 =	simm.s32 $0x0;
	[sflag:s30] =	ssyncadd.s32 $0xFFFFC000  }
0x59: {  	v0 =	vld [tilespmem:s7+$0x4200]  }
0x5a: {  	v1 =	vld [tilespmem:s7+$0xC200];
	_ =	sdelay $0x2  }
0x5b: {  	s9 =	simm.s32 $0x200  }
.LBB2_5:
0x5c: {  	s10 =	sshra.s32 s9, $0x2;
	p0 =	sne.s32 s9, $0xFE00  }
.Ltmp1:
0x5d: {  	s9 =	sadd.s32 $0x200, s9;
	v2 =	vsub.f32 v0, v1;
	v0 =	vld [tilespmem:s10+$0x4200];
	(pc) =	sbr.rel @p0 .LBB2_5-.Ltmp1, $3  }
0x5e: {  	v1 =	vld [tilespmem:s10+$0xC200]  }
0x5f: {  	v2 =	vmul.f32 v2, v2;
	_ =	sdelay $0x1  }
0x60: {  	[tilespmem:s7+$0x14200] =	vst v2;
	s7 =	smov.u32 s10  }
0x61: {  	_ = 	snop  }
0x62: {  	v0 =	vsub.f32 v0, v1;
	_ =	sdelay $0x1  }
0x63: {  	v0 =	vmul.f32 v0, v0  }
0x64: {  	s9 =	sshll.u32 s0, $0xC;
	s10 =	sshll.u32 s0, $0x1  }
0x65: {  	s9 =	sadd.s32 s16, s9;
	[tilespmem:s7+$0x14200] =	vst v0;
	s7 =	smin.u32 s10, $0x4B  }
0x66: {  	[hbm4b:s9+s5] =	stream.linear.scatter [tilespmem:s31], [sflag:$0x5], $0x4000, $0x38;
	[tilespmem:$0x18200] =	vst v63  }
0x67: {  	s0 =	sadd.s32 $0x1, s0;
	s7 =	sshll.u32 s7, $0x7  }
0x68: {  	p0 =	sne.s32 s0, $0x27;
	_ =	swait.ge [sflag:s29], $0x4000;
	s7 =	sadd.s32 s7, s13  }
.Ltmp2:
0x69: {  	[sflag:s29] =	ssyncset.done $0x0;
	s7 =	sshrl.u32 s7, $0x3;
	(pc) =	sbr.rel @p0 .LBB2_2-.Ltmp2, $4  }
0x6a: {  	[sflag:s29] =	ssyncadd.s32 $0xFFFFC000;
	s10 =	sadd.s32 s2, s7  }
0x6b: {  	[tilespmem:s19], [sflag:$0x2] =	stream.linear.gather [hbm4b:s10+s5], $0x80, $0x38;
	[tilespmem:$0x18200] =	vst v63  }
0x6c: {  	s7 =	sadd.s32 s4, s7  }
0x6d: {  	[tilespmem:s22], [sflag:$0x2] =	stream.linear.gather [hbm4b:s7+s5], $0x80, $0x38;
	[tilespmem:$0x18200] =	vst v63  }
0x6e: {  	_ =	swait.ge [sflag:s23], $0x80  }
0x6f: {  	[sflag:s23] =	ssyncset.done $0x0  }
0x70: {  	[sflag:s23] =	ssyncadd.s32 $0xFFFFFF80  }
0x71: {  	_ =	swait.ge [sflag:s23], $0x80  }
0x72: {  	[sflag:s23] =	ssyncset.done $0x0  }
0x73: {  	[sflag:s23] =	ssyncadd.s32 $0xFFFFFF80  }
0x74: {  	_ =	swait.ge [sflag:s26], $0x4000  }
0x75: {  	[sflag:s26] =	ssyncset.done $0x0  }
0x76: {  	[sflag:s26] =	ssyncadd.s32 $0xFFFFC000  }
0x77: {  	_ =	swait.ge [sflag:s26], $0x4000  }
0x78: {  	[sflag:s26] =	ssyncset.done $0x0  }
0x79: {  	s0 =	simm.s32 $0x0;
	[sflag:s26] =	ssyncadd.s32 $0xFFFFC000  }
0x7a: {  	v0 =	vld [tilespmem:s0+$0x200]  }
0x7b: {  	v1 =	vld [tilespmem:s0+$0x8200];
	_ =	sdelay $0x2  }
0x7c: {  	s7 =	simm.s32 $0x200  }
.LBB2_8:
0x7d: {  	s9 =	sshra.s32 s7, $0x2;
	p0 =	sne.s32 s7, $0xFE00  }
.Ltmp3:
0x7e: {  	s7 =	sadd.s32 $0x200, s7;
	v2 =	vsub.f32 v0, v1;
	v0 =	vld [tilespmem:s9+$0x200];
	(pc) =	sbr.rel @p0 .LBB2_8-.Ltmp3, $3  }
0x7f: {  	v1 =	vld [tilespmem:s9+$0x8200]  }
0x80: {  	v2 =	vmul.f32 v2, v2;
	_ =	sdelay $0x1  }
0x81: {  	[tilespmem:s0+$0x10200] =	vst v2;
	s0 =	smov.u32 s9  }
0x82: {  	_ = 	snop  }
0x83: {  	v0 =	vsub.f32 v0, v1;
	_ =	sdelay $0x1  }
0x84: {  	s3 =	sadd.s32 $0x1, s3;
	v0 =	vmul.f32 v0, v0  }
0x85: {  	p0 =	sne.s32 s3, s15  }
.Ltmp4:
0x86: {  	[tilespmem:s0+$0x10200] =	vst v0;
	(pc) =	sbr.rel @p0 .LBB2_1-.Ltmp4, $4  }
0x87: {  	[hbm4b:s14+s5] =	stream.linear.scatter [tilespmem:s28], [sflag:$0x5], $0x4000, $0x38;
	[tilespmem:$0x18200] =	vst v63  }
0x88: {  	_ =	swait.ge [sflag:s29], $0x4000  }
0x89: {  	[sflag:s29] =	ssyncset.done $0x0  }
0x8a: {  	[sflag:s29] =	ssyncadd.s32 $0xFFFFC000  }
0x8b: {  	_ =	sfence.sel $0x180000  }
0x8c: {  	[bflag:$0x0] =	sbarrier.arrive $0xFFFF  }
0x8d: {  	_ =	strace $0x90000047  }
0x8e: {  	s0 =	stileid.u32;
	[bflag:$0x2] =	sbarrier.arrive $0xFFFF  }
0x8f: {  	p0 =	sne.s32 s0, $0x0;
	s0 =	rddreg [dreg:$0x4]  }
0x90: {  	s0 =	sadd.s32 @!p0 $0x100000, s0  }
0x91: {  	[sflag:s0] =	ssyncadd.tile.s32 @!p0 $0x1;
	_ =	shalt  }
.Lfunc_end2:
_tile_overlayer_lowered:
.L_overlay_start_2:
0x92: {  	(tag) =	ssettag $0x2  }
0x93: {  	s0 =	rddreg [dreg:$0x0];
	s2 =	stileid.u32  }
0x94: {  	s1 =	rddreg [dreg:$0x1];
	p0 =	sne.s32 s2, $0x0  }
0x95: {  	s3 =	rddreg [dreg:$0x2];
	[bflag:$0x3] =	sbarrier.arrive $0xFFFF;
	s2 =	simm.s32 @!p0 $0x1C05  }
0x96: {  	[timem:s3], [sflag:s2] =	dma.local @!p0 [hbm:s0], s1  }
0x97: {  	s0 =	simm.s32 @!p0 $0x5  }
0x98: {  	_ =	swait.ge @!p0 [sflag:s0], s1  }
0x99: {  	s1 =	ssub.s32 @!p0 $0x0, s1;
	[sflag:s0] =	ssyncset.done @!p0 $0x0  }
0x9a: {  	[sflag:s0] =	ssyncadd.s32 @!p0 s1  }
0x9b: {  	[bflag:$0x3] =	sbarrier.arrive $0xFFFF  }
0x9c: {  	_ =	shalt  }

</sc_bundles>
